<compile_context>
chip_gen: v7x
topology: tpu7x:2x2x1
jax: 0.10.2.dev20260603
libtpu: 0.0.44.dev20260713+nightly
codegen_flags: <defaults>
</compile_context>

<pallas_src>
import functools

import jax
import jax.numpy as jnp
from jax import lax
from jax.experimental import pallas as pl
from jax.experimental.pallas import tpu as pltpu
from jax.experimental.pallas import tpu_sc as plsc

_NA = 8
_R, _C = 2048, 4096
_NC, _NS = 2, 16
_NW = _NC * _NS
_RW = _R // _NW
_SUB = 4
_NBUF = 7
_NIT = _RW // _SUB

_mesh = plsc.VectorSubcoreMesh(core_axis_name="c", subcore_axis_name="s")


@functools.partial(
    pl.kernel,
    mesh=_mesh,
    out_type=jax.ShapeDtypeStruct((_R, _C), jnp.float32),
    scratch_types=[
        pltpu.VMEM((16,), jnp.int32),
        pltpu.VMEM((_NIT, 16), jnp.int32),
        pltpu.VMEM((_NBUF, _SUB, _C), jnp.float32),
        pltpu.SemaphoreType.DMA((_NBUF,)),
        pltpu.SemaphoreType.DMA((_NBUF,)),
    ],
)
def _sc_copy(aid_hbm, w_hbm, out_hbm, avec, idx, buf, rsem, wsem):
    pltpu.sync_copy(aid_hbm, avec)
    wid = lax.axis_index("s") * _NC + lax.axis_index("c")
    base = wid * _RW
    lanes = lax.iota(jnp.int32, 16)
    rowvec = avec[...] * _R + base + lanes
    for i in range(_NIT):
        idx[i, :] = rowvec + i * _SUB

    def read(i, b):
        return pltpu.make_async_copy(
            w_hbm.at[pl.ds(base + i * _SUB, _SUB), :], buf.at[b], rsem.at[b]
        )

    def write(i, b):
        return pltpu.make_async_copy(
            buf.at[b], out_hbm.at[pl.ds(base + i * _SUB, _SUB), :], wsem.at[b]
        )

    for b in range(_NBUF):
        read(b, b).start()
    for i in range(_NIT):
        b = i % _NBUF
        if i >= 1 and (i - 1) + _NBUF < _NIT:
            pb = (i - 1) % _NBUF
            read(i - 1 + _NBUF, pb).start()
        read(i, b).wait()


def kernel(W, arch_id):
    aid = jnp.full((16,), arch_id, dtype=jnp.int32)
    return _sc_copy(aid, W.reshape(_NA * _R, _C))

# --- scband reference (transcript-rebuilt; emitter-appended) ---
"""Pipeline reference for scband-arch-conditional-weight-43241730736955 (READ-ONLY COPY).

The authoritative reference and input builder live on the scoring server;
editing this copy changes nothing except your own understanding.
"""

import jax, jax.numpy as jnp
import numpy as np

NUM_ARCHS = 8
SHAPE = (2048, 4096)

def setup_inputs(seed: int = 0) -> dict:
    key = jax.random.key(seed)
    # ParameterList of NUM_ARCHS parameters, materialized as a stacked bank.
    # (Original default construct_fn is torch.zeros; we use random values so the
    #  gather is observable. Shape/semantics are identical.)
    W = jax.random.normal(key, (NUM_ARCHS,) + SHAPE, dtype=jnp.float32)
    arch_id = 3
    return {"W": W, "arch_id": arch_id}

def reference(W, arch_id):
    # forward(arch_id): return self.weights[arch_id]
    # Stacked-bank equivalent: row-gather along axis 0.
    return jnp.take(W, arch_id, axis=0)

if __name__ == "__main__":
    import jax
    _d = setup_inputs()
    print(jax.jit(kernel)(*tuple(_d.values())))

</pallas_src>

<mosaic_0001>
#map = affine_map<(d0, d1) -> (0)>
#map1 = affine_map<(d0, d1) -> (0, 0)>
module attributes {stable_mosaic.version = 14 : i64} {
  func.func @_sc_copy(%arg0: i32, %arg1: i32, %arg2: memref<16xi32, #tpu.memory_space<hbm>>, %arg3: memref<16384x4096xf32, #tpu.memory_space<hbm>>, %arg4: memref<2048x4096xf32, #tpu.memory_space<hbm>>, %arg5: memref<16xi32, #tpu.memory_space<vmem>>, %arg6: memref<16x16xi32, #tpu.memory_space<vmem>>, %arg7: memref<7x4x4096xf32, #tpu.memory_space<vmem>>, %arg8: memref<7x!tpu.dma_semaphore, #tpu.memory_space<semaphore_mem>>, %arg9: memref<7x!tpu.dma_semaphore, #tpu.memory_space<semaphore_mem>>) attributes {dimension_semantics = [#tpu.dimension_semantics<core_parallel>, #tpu.dimension_semantics<subcore_parallel>], iteration_bounds = array<i64: 2, 16>, scalar_prefetch = 0 : i64, scratch_operands = 5 : i64, tpu.core_type = #tpu.core_type<sc_vector_subcore>, window_params = [{transform_indices = #map}, {transform_indices = #map1}, {transform_indices = #map1}]} {
    "tpu.region"() ({
      %run_scoped3A = tpu.sem_alloc : memref<!tpu.dma_semaphore, #tpu.memory_space<semaphore_mem>>
      tpu.enqueue_dma source(%arg2 : memref<16xi32, #tpu.memory_space<hbm>>) target(%arg5 : memref<16xi32, #tpu.memory_space<vmem>>) target_semaphore(%run_scoped3A : memref<!tpu.dma_semaphore, #tpu.memory_space<semaphore_mem>>)
      tpu.wait_dma2 semaphore(%run_scoped3A : memref<!tpu.dma_semaphore, #tpu.memory_space<semaphore_mem>>) src(%arg2 : memref<16xi32, #tpu.memory_space<hbm>>) dst(%arg5 : memref<16xi32, #tpu.memory_space<vmem>>)
      tpu.yield
    }) : () -> ()
    %mul3A = arith.constant 2 : i32
    %mul3A_0 = arith.muli %arg1, %mul3A : i32
    %add3A = arith.addi %mul3A_0, %arg0 : i32
    %mul3A_1 = arith.constant 64 : i32
    %mul3A_2 = arith.muli %add3A, %mul3A_1 : i32
    %iota3A = tpu.iota {dimensions = array<i32: 0>} : vector<16xi32>
    %get3A = arith.constant 0 : index
    %get3A_3 = tpu.vector_load %arg5[%get3A] {strides = array<i32>} : memref<16xi32, #tpu.memory_space<vmem>>, vector<16xi32>,
    %get3A_4 = vector.shape_cast %get3A_3 : vector<16xi32> to vector<16xi32>
    %mul3A_5 = arith.constant 2048 : i32
    %mul3A_6 = vector.broadcast %mul3A_5 : i32 to vector<16xi32>
    %mul3A_7 = arith.muli %get3A_4, %mul3A_6 : vector<16xi32>
    %add3A_8 = vector.broadcast %mul3A_2 : i32 to vector<16xi32>
    %add3A_9 = arith.addi %mul3A_7, %add3A_8 : vector<16xi32>
    %add3A_10 = arith.addi %add3A_9, %iota3A : vector<16xi32>
    %add3A_11 = arith.constant 0 : i32
    %add3A_12 = vector.broadcast %add3A_11 : i32 to vector<16xi32>
    %add3A_13 = arith.addi %add3A_10, %add3A_12 : vector<16xi32>
    %swap3A = arith.constant 0 : i32
    %swap3A_14 = arith.index_cast %swap3A : i32 to index
    %swap3A_15 = arith.constant 0 : index
    %swap3A_16 = tpu.vector_load %arg6[%swap3A_14, %swap3A_15] {strides = array<i32>} : memref<16x16xi32, #tpu.memory_space<vmem>>, vector<1x16xi32>,
    %swap3A_17 = vector.shape_cast %swap3A_16 : vector<1x16xi32> to vector<16xi32>
    %swap3A_18 = vector.shape_cast %add3A_13 : vector<16xi32> to vector<1x16xi32>
    tpu.vector_store %arg6[%swap3A_14, %swap3A_15], %swap3A_18 {strides = array<i32>} : memref<16x16xi32, #tpu.memory_space<vmem>>, vector<1x16xi32>,
    %add3A_19 = arith.constant 4 : i32
    %add3A_20 = vector.broadcast %add3A_19 : i32 to vector<16xi32>
    %add3A_21 = arith.addi %add3A_10, %add3A_20 : vector<16xi32>
    %swap3A_22 = arith.constant 1 : i32
    %swap3A_23 = arith.index_cast %swap3A_22 : i32 to index
    %swap3A_24 = arith.constant 0 : index
    %swap3A_25 = tpu.vector_load %arg6[%swap3A_23, %swap3A_24] {strides = array<i32>} : memref<16x16xi32, #tpu.memory_space<vmem>>, vector<1x16xi32>,
    %swap3A_26 = vector.shape_cast %swap3A_25 : vector<1x16xi32> to vector<16xi32>
    %swap3A_27 = vector.shape_cast %add3A_21 : vector<16xi32> to vector<1x16xi32>
    tpu.vector_store %arg6[%swap3A_23, %swap3A_24], %swap3A_27 {strides = array<i32>} : memref<16x16xi32, #tpu.memory_space<vmem>>, vector<1x16xi32>,
    %add3A_28 = arith.constant 8 : i32
    %add3A_29 = vector.broadcast %add3A_28 : i32 to vector<16xi32>
    %add3A_30 = arith.addi %add3A_10, %add3A_29 : vector<16xi32>
    %swap3A_31 = arith.constant 2 : i32
    %swap3A_32 = arith.index_cast %swap3A_31 : i32 to index
    %swap3A_33 = arith.constant 0 : index
    %swap3A_34 = tpu.vector_load %arg6[%swap3A_32, %swap3A_33] {strides = array<i32>} : memref<16x16xi32, #tpu.memory_space<vmem>>, vector<1x16xi32>,
    %swap3A_35 = vector.shape_cast %swap3A_34 : vector<1x16xi32> to vector<16xi32>
    %swap3A_36 = vector.shape_cast %add3A_30 : vector<16xi32> to vector<1x16xi32>
    tpu.vector_store %arg6[%swap3A_32, %swap3A_33], %swap3A_36 {strides = array<i32>} : memref<16x16xi32, #tpu.memory_space<vmem>>, vector<1x16xi32>,
    %add3A_37 = arith.constant 12 : i32
    %add3A_38 = vector.broadcast %add3A_37 : i32 to vector<16xi32>
    %add3A_39 = arith.addi %add3A_10, %add3A_38 : vector<16xi32>
    %swap3A_40 = arith.constant 3 : i32
    %swap3A_41 = arith.index_cast %swap3A_40 : i32 to index
    %swap3A_42 = arith.constant 0 : index
    %swap3A_43 = tpu.vector_load %arg6[%swap3A_41, %swap3A_42] {strides = array<i32>} : memref<16x16xi32, #tpu.memory_space<vmem>>, vector<1x16xi32>,
    %swap3A_44 = vector.shape_cast %swap3A_43 : vector<1x16xi32> to vector<16xi32>
    %swap3A_45 = vector.shape_cast %add3A_39 : vector<16xi32> to vector<1x16xi32>
    tpu.vector_store %arg6[%swap3A_41, %swap3A_42], %swap3A_45 {strides = array<i32>} : memref<16x16xi32, #tpu.memory_space<vmem>>, vector<1x16xi32>,
    %add3A_46 = arith.constant 16 : i32
    %add3A_47 = vector.broadcast %add3A_46 : i32 to vector<16xi32>
    %add3A_48 = arith.addi %add3A_10, %add3A_47 : vector<16xi32>
    %swap3A_49 = arith.constant 4 : i32
    %swap3A_50 = arith.index_cast %swap3A_49 : i32 to index
    %swap3A_51 = arith.constant 0 : index
    %swap3A_52 = tpu.vector_load %arg6[%swap3A_50, %swap3A_51] {strides = array<i32>} : memref<16x16xi32, #tpu.memory_space<vmem>>, vector<1x16xi32>,
    %swap3A_53 = vector.shape_cast %swap3A_52 : vector<1x16xi32> to vector<16xi32>
    %swap3A_54 = vector.shape_cast %add3A_48 : vector<16xi32> to vector<1x16xi32>
    tpu.vector_store %arg6[%swap3A_50, %swap3A_51], %swap3A_54 {strides = array<i32>} : memref<16x16xi32, #tpu.memory_space<vmem>>, vector<1x16xi32>,
    %add3A_55 = arith.constant 20 : i32
    %add3A_56 = vector.broadcast %add3A_55 : i32 to vector<16xi32>
    %add3A_57 = arith.addi %add3A_10, %add3A_56 : vector<16xi32>
    %swap3A_58 = arith.constant 5 : i32
    %swap3A_59 = arith.index_cast %swap3A_58 : i32 to index
    %swap3A_60 = arith.constant 0 : index
    %swap3A_61 = tpu.vector_load %arg6[%swap3A_59, %swap3A_60] {strides = array<i32>} : memref<16x16xi32, #tpu.memory_space<vmem>>, vector<1x16xi32>,
    %swap3A_62 = vector.shape_cast %swap3A_61 : vector<1x16xi32> to vector<16xi32>
    %swap3A_63 = vector.shape_cast %add3A_57 : vector<16xi32> to vector<1x16xi32>
    tpu.vector_store %arg6[%swap3A_59, %swap3A_60], %swap3A_63 {strides = array<i32>} : memref<16x16xi32, #tpu.memory_space<vmem>>, vector<1x16xi32>,
    %add3A_64 = arith.constant 24 : i32
    %add3A_65 = vector.broadcast %add3A_64 : i32 to vector<16xi32>
    %add3A_66 = arith.addi %add3A_10, %add3A_65 : vector<16xi32>
    %swap3A_67 = arith.constant 6 : i32
    %swap3A_68 = arith.index_cast %swap3A_67 : i32 to index
    %swap3A_69 = arith.constant 0 : index
    %swap3A_70 = tpu.vector_load %arg6[%swap3A_68, %swap3A_69] {strides = array<i32>} : memref<16x16xi32, #tpu.memory_space<vmem>>, vector<1x16xi32>,
    %swap3A_71 = vector.shape_cast %swap3A_70 : vector<1x16xi32> to vector<16xi32>
    %swap3A_72 = vector.shape_cast %add3A_66 : vector<16xi32> to vector<1x16xi32>
    tpu.vector_store %arg6[%swap3A_68, %swap3A_69], %swap3A_72 {strides = array<i32>} : memref<16x16xi32, #tpu.memory_space<vmem>>, vector<1x16xi32>,
    %add3A_73 = arith.constant 28 : i32
    %add3A_74 = vector.broadcast %add3A_73 : i32 to vector<16xi32>
    %add3A_75 = arith.addi %add3A_10, %add3A_74 : vector<16xi32>
    %swap3A_76 = arith.constant 7 : i32
    %swap3A_77 = arith.index_cast %swap3A_76 : i32 to index
    %swap3A_78 = arith.constant 0 : index
    %swap3A_79 = tpu.vector_load %arg6[%swap3A_77, %swap3A_78] {strides = array<i32>} : memref<16x16xi32, #tpu.memory_space<vmem>>, vector<1x16xi32>,
    %swap3A_80 = vector.shape_cast %swap3A_79 : vector<1x16xi32> to vector<16xi32>
    %swap3A_81 = vector.shape_cast %add3A_75 : vector<16xi32> to vector<1x16xi32>
    tpu.vector_store %arg6[%swap3A_77, %swap3A_78], %swap3A_81 {strides = array<i32>} : memref<16x16xi32, #tpu.memory_space<vmem>>, vector<1x16xi32>,
    %add3A_82 = arith.constant 32 : i32
    %add3A_83 = vector.broadcast %add3A_82 : i32 to vector<16xi32>
    %add3A_84 = arith.addi %add3A_10, %add3A_83 : vector<16xi32>
    %swap3A_85 = arith.constant 8 : i32
    %swap3A_86 = arith.index_cast %swap3A_85 : i32 to index
    %swap3A_87 = arith.constant 0 : index
    %swap3A_88 = tpu.vector_load %arg6[%swap3A_86, %swap3A_87] {strides = array<i32>} : memref<16x16xi32, #tpu.memory_space<vmem>>, vector<1x16xi32>,
    %swap3A_89 = vector.shape_cast %swap3A_88 : vector<1x16xi32> to vector<16xi32>
    %swap3A_90 = vector.shape_cast %add3A_84 : vector<16xi32> to vector<1x16xi32>
    tpu.vector_store %arg6[%swap3A_86, %swap3A_87], %swap3A_90 {strides = array<i32>} : memref<16x16xi32, #tpu.memory_space<vmem>>, vector<1x16xi32>,
    %add3A_91 = arith.constant 36 : i32
    %add3A_92 = vector.broadcast %add3A_91 : i32 to vector<16xi32>
    %add3A_93 = arith.addi %add3A_10, %add3A_92 : vector<16xi32>
    %swap3A_94 = arith.constant 9 : i32
    %swap3A_95 = arith.index_cast %swap3A_94 : i32 to index
    %swap3A_96 = arith.constant 0 : index
    %swap3A_97 = tpu.vector_load %arg6[%swap3A_95, %swap3A_96] {strides = array<i32>} : memref<16x16xi32, #tpu.memory_space<vmem>>, vector<1x16xi32>,
    %swap3A_98 = vector.shape_cast %swap3A_97 : vector<1x16xi32> to vector<16xi32>
    %swap3A_99 = vector.shape_cast %add3A_93 : vector<16xi32> to vector<1x16xi32>
    tpu.vector_store %arg6[%swap3A_95, %swap3A_96], %swap3A_99 {strides = array<i32>} : memref<16x16xi32, #tpu.memory_space<vmem>>, vector<1x16xi32>,
    %add3A_100 = arith.constant 40 : i32
    %add3A_101 = vector.broadcast %add3A_100 : i32 to vector<16xi32>
    %add3A_102 = arith.addi %add3A_10, %add3A_101 : vector<16xi32>
    %swap3A_103 = arith.constant 10 : i32
    %swap3A_104 = arith.index_cast %swap3A_103 : i32 to index
    %swap3A_105 = arith.constant 0 : index
    %swap3A_106 = tpu.vector_load %arg6[%swap3A_104, %swap3A_105] {strides = array<i32>} : memref<16x16xi32, #tpu.memory_space<vmem>>, vector<1x16xi32>,
    %swap3A_107 = vector.shape_cast %swap3A_106 : vector<1x16xi32> to vector<16xi32>
    %swap3A_108 = vector.shape_cast %add3A_102 : vector<16xi32> to vector<1x16xi32>
    tpu.vector_store %arg6[%swap3A_104, %swap3A_105], %swap3A_108 {strides = array<i32>} : memref<16x16xi32, #tpu.memory_space<vmem>>, vector<1x16xi32>,
    %add3A_109 = arith.constant 44 : i32
    %add3A_110 = vector.broadcast %add3A_109 : i32 to vector<16xi32>
    %add3A_111 = arith.addi %add3A_10, %add3A_110 : vector<16xi32>
    %swap3A_112 = arith.constant 11 : i32
    %swap3A_113 = arith.index_cast %swap3A_112 : i32 to index
    %swap3A_114 = arith.constant 0 : index
    %swap3A_115 = tpu.vector_load %arg6[%swap3A_113, %swap3A_114] {strides = array<i32>} : memref<16x16xi32, #tpu.memory_space<vmem>>, vector<1x16xi32>,
    %swap3A_116 = vector.shape_cast %swap3A_115 : vector<1x16xi32> to vector<16xi32>
    %swap3A_117 = vector.shape_cast %add3A_111 : vector<16xi32> to vector<1x16xi32>
    tpu.vector_store %arg6[%swap3A_113, %swap3A_114], %swap3A_117 {strides = array<i32>} : memref<16x16xi32, #tpu.memory_space<vmem>>, vector<1x16xi32>,
    %add3A_118 = arith.constant 48 : i32
    %add3A_119 = vector.broadcast %add3A_118 : i32 to vector<16xi32>
    %add3A_120 = arith.addi %add3A_10, %add3A_119 : vector<16xi32>
    %swap3A_121 = arith.constant 12 : i32
    %swap3A_122 = arith.index_cast %swap3A_121 : i32 to index
    %swap3A_123 = arith.constant 0 : index
    %swap3A_124 = tpu.vector_load %arg6[%swap3A_122, %swap3A_123] {strides = array<i32>} : memref<16x16xi32, #tpu.memory_space<vmem>>, vector<1x16xi32>,
    %swap3A_125 = vector.shape_cast %swap3A_124 : vector<1x16xi32> to vector<16xi32>
    %swap3A_126 = vector.shape_cast %add3A_120 : vector<16xi32> to vector<1x16xi32>
    tpu.vector_store %arg6[%swap3A_122, %swap3A_123], %swap3A_126 {strides = array<i32>} : memref<16x16xi32, #tpu.memory_space<vmem>>, vector<1x16xi32>,
    %add3A_127 = arith.constant 52 : i32
    %add3A_128 = vector.broadcast %add3A_127 : i32 to vector<16xi32>
    %add3A_129 = arith.addi %add3A_10, %add3A_128 : vector<16xi32>
    %swap3A_130 = arith.constant 13 : i32
    %swap3A_131 = arith.index_cast %swap3A_130 : i32 to index
    %swap3A_132 = arith.constant 0 : index
    %swap3A_133 = tpu.vector_load %arg6[%swap3A_131, %swap3A_132] {strides = array<i32>} : memref<16x16xi32, #tpu.memory_space<vmem>>, vector<1x16xi32>,
    %swap3A_134 = vector.shape_cast %swap3A_133 : vector<1x16xi32> to vector<16xi32>
    %swap3A_135 = vector.shape_cast %add3A_129 : vector<16xi32> to vector<1x16xi32>
    tpu.vector_store %arg6[%swap3A_131, %swap3A_132], %swap3A_135 {strides = array<i32>} : memref<16x16xi32, #tpu.memory_space<vmem>>, vector<1x16xi32>,
    %add3A_136 = arith.constant 56 : i32
    %add3A_137 = vector.broadcast %add3A_136 : i32 to vector<16xi32>
    %add3A_138 = arith.addi %add3A_10, %add3A_137 : vector<16xi32>
    %swap3A_139 = arith.constant 14 : i32
    %swap3A_140 = arith.index_cast %swap3A_139 : i32 to index
    %swap3A_141 = arith.constant 0 : index
    %swap3A_142 = tpu.vector_load %arg6[%swap3A_140, %swap3A_141] {strides = array<i32>} : memref<16x16xi32, #tpu.memory_space<vmem>>, vector<1x16xi32>,
    %swap3A_143 = vector.shape_cast %swap3A_142 : vector<1x16xi32> to vector<16xi32>
    %swap3A_144 = vector.shape_cast %add3A_138 : vector<16xi32> to vector<1x16xi32>
    tpu.vector_store %arg6[%swap3A_140, %swap3A_141], %swap3A_144 {strides = array<i32>} : memref<16x16xi32, #tpu.memory_space<vmem>>, vector<1x16xi32>,
    %add3A_145 = arith.constant 60 : i32
    %add3A_146 = vector.broadcast %add3A_145 : i32 to vector<16xi32>
    %add3A_147 = arith.addi %add3A_10, %add3A_146 : vector<16xi32>
    %swap3A_148 = arith.constant 15 : i32
    %swap3A_149 = arith.index_cast %swap3A_148 : i32 to index
    %swap3A_150 = arith.constant 0 : index
    %swap3A_151 = tpu.vector_load %arg6[%swap3A_149, %swap3A_150] {strides = array<i32>} : memref<16x16xi32, #tpu.memory_space<vmem>>, vector<1x16xi32>,
    %swap3A_152 = vector.shape_cast %swap3A_151 : vector<1x16xi32> to vector<16xi32>
    %swap3A_153 = vector.shape_cast %add3A_147 : vector<16xi32> to vector<1x16xi32>
    tpu.vector_store %arg6[%swap3A_149, %swap3A_150], %swap3A_153 {strides = array<i32>} : memref<16x16xi32, #tpu.memory_space<vmem>>, vector<1x16xi32>,
    %add3A_154 = arith.constant 0 : i32
    %add3A_155 = arith.addi %mul3A_2, %add3A_154 : i32
    %dma_start3A = arith.constant 0 : i32
    %dma_start3A_156 = arith.constant 0 : i32
    %dma_start3A_157 = arith.constant 0 : i32
    %dma_start3A_158 = arith.constant 0 : i32
    %dma_start3A_159 = tpu.memref_slice %arg7[%dma_start3A, %dma_start3A_157, %dma_start3A_158] : memref<7x4x4096xf32, #tpu.memory_space<vmem>> -> memref<1x4x4096xf32, #tpu.memory_space<vmem>>
    %dma_start3A_160 = tpu.memref_squeeze %dma_start3A_159 : memref<1x4x4096xf32, #tpu.memory_space<vmem>> -> memref<4x4096xf32, #tpu.memory_space<vmem>>
    %dma_start3A_161 = arith.constant 0 : i32
    %dma_start3A_162 = tpu.memref_slice %arg3[%add3A_155, %dma_start3A_161] : memref<16384x4096xf32, #tpu.memory_space<hbm>> -> memref<4x4096xf32, #tpu.memory_space<hbm>>
    %dma_start3A_163 = tpu.memref_slice %arg8[%dma_start3A_156] : memref<7x!tpu.dma_semaphore, #tpu.memory_space<semaphore_mem>> -> memref<1x!tpu.dma_semaphore, #tpu.memory_space<semaphore_mem>>
    %dma_start3A_164 = tpu.memref_squeeze %dma_start3A_163 : memref<1x!tpu.dma_semaphore, #tpu.memory_space<semaphore_mem>> -> memref<!tpu.dma_semaphore, #tpu.memory_space<semaphore_mem>>
    %dma_start3A_165 = arith.constant 0 : i32
    %dma_start3A_166 = arith.constant 0 : i32
    %dma_start3A_167 = tpu.memref_slice %arg7[%dma_start3A, %dma_start3A_165, %dma_start3A_166] : memref<7x4x4096xf32, #tpu.memory_space<vmem>> -> memref<1x4x4096xf32, #tpu.memory_space<vmem>>
    %dma_start3A_168 = tpu.memref_squeeze %dma_start3A_167 : memref<1x4x4096xf32, #tpu.memory_space<vmem>> -> memref<4x4096xf32, #tpu.memory_space<vmem>>
    %dma_start3A_169 = arith.constant 0 : i32
    %dma_start3A_170 = tpu.memref_slice %arg3[%add3A_155, %dma_start3A_169] : memref<16384x4096xf32, #tpu.memory_space<hbm>> -> memref<4x4096xf32, #tpu.memory_space<hbm>>
    tpu.enqueue_dma source(%dma_start3A_170 : memref<4x4096xf32, #tpu.memory_space<hbm>>) target(%dma_start3A_168 : memref<4x4096xf32, #tpu.memory_space<vmem>>) target_semaphore(%dma_start3A_164 : memref<!tpu.dma_semaphore, #tpu.memory_space<semaphore_mem>>)
    %add3A_171 = arith.constant 4 : i32
    %add3A_172 = arith.addi %mul3A_2, %add3A_171 : i32
    %dma_start3A_173 = arith.constant 1 : i32
    %dma_start3A_174 = arith.constant 1 : i32
    %dma_start3A_175 = arith.constant 0 : i32
    %dma_start3A_176 = arith.constant 0 : i32
    %dma_start3A_177 = tpu.memref_slice %arg7[%dma_start3A_173, %dma_start3A_175, %dma_start3A_176] : memref<7x4x4096xf32, #tpu.memory_space<vmem>> -> memref<1x4x4096xf32, #tpu.memory_space<vmem>>
    %dma_start3A_178 = tpu.memref_squeeze %dma_start3A_177 : memref<1x4x4096xf32, #tpu.memory_space<vmem>> -> memref<4x4096xf32, #tpu.memory_space<vmem>>
    %dma_start3A_179 = arith.constant 0 : i32
    %dma_start3A_180 = tpu.memref_slice %arg3[%add3A_172, %dma_start3A_179] : memref<16384x4096xf32, #tpu.memory_space<hbm>> -> memref<4x4096xf32, #tpu.memory_space<hbm>>
    %dma_start3A_181 = tpu.memref_slice %arg8[%dma_start3A_174] : memref<7x!tpu.dma_semaphore, #tpu.memory_space<semaphore_mem>> -> memref<1x!tpu.dma_semaphore, #tpu.memory_space<semaphore_mem>>
    %dma_start3A_182 = tpu.memref_squeeze %dma_start3A_181 : memref<1x!tpu.dma_semaphore, #tpu.memory_space<semaphore_mem>> -> memref<!tpu.dma_semaphore, #tpu.memory_space<semaphore_mem>>
    %dma_start3A_183 = arith.constant 0 : i32
    %dma_start3A_184 = arith.constant 0 : i32
    %dma_start3A_185 = tpu.memref_slice %arg7[%dma_start3A_173, %dma_start3A_183, %dma_start3A_184] : memref<7x4x4096xf32, #tpu.memory_space<vmem>> -> memref<1x4x4096xf32, #tpu.memory_space<vmem>>
    %dma_start3A_186 = tpu.memref_squeeze %dma_start3A_185 : memref<1x4x4096xf32, #tpu.memory_space<vmem>> -> memref<4x4096xf32, #tpu.memory_space<vmem>>
    %dma_start3A_187 = arith.constant 0 : i32
    %dma_start3A_188 = tpu.memref_slice %arg3[%add3A_172, %dma_start3A_187] : memref<16384x4096xf32, #tpu.memory_space<hbm>> -> memref<4x4096xf32, #tpu.memory_space<hbm>>
    tpu.enqueue_dma source(%dma_start3A_188 : memref<4x4096xf32, #tpu.memory_space<hbm>>) target(%dma_start3A_186 : memref<4x4096xf32, #tpu.memory_space<vmem>>) target_semaphore(%dma_start3A_182 : memref<!tpu.dma_semaphore, #tpu.memory_space<semaphore_mem>>)
    %add3A_189 = arith.constant 8 : i32
    %add3A_190 = arith.addi %mul3A_2, %add3A_189 : i32
    %dma_start3A_191 = arith.constant 2 : i32
    %dma_start3A_192 = arith.constant 2 : i32
    %dma_start3A_193 = arith.constant 0 : i32
    %dma_start3A_194 = arith.constant 0 : i32
    %dma_start3A_195 = tpu.memref_slice %arg7[%dma_start3A_191, %dma_start3A_193, %dma_start3A_194] : memref<7x4x4096xf32, #tpu.memory_space<vmem>> -> memref<1x4x4096xf32, #tpu.memory_space<vmem>>
    %dma_start3A_196 = tpu.memref_squeeze %dma_start3A_195 : memref<1x4x4096xf32, #tpu.memory_space<vmem>> -> memref<4x4096xf32, #tpu.memory_space<vmem>>
    %dma_start3A_197 = arith.constant 0 : i32
    %dma_start3A_198 = tpu.memref_slice %arg3[%add3A_190, %dma_start3A_197] : memref<16384x4096xf32, #tpu.memory_space<hbm>> -> memref<4x4096xf32, #tpu.memory_space<hbm>>
    %dma_start3A_199 = tpu.memref_slice %arg8[%dma_start3A_192] : memref<7x!tpu.dma_semaphore, #tpu.memory_space<semaphore_mem>> -> memref<1x!tpu.dma_semaphore, #tpu.memory_space<semaphore_mem>>
    %dma_start3A_200 = tpu.memref_squeeze %dma_start3A_199 : memref<1x!tpu.dma_semaphore, #tpu.memory_space<semaphore_mem>> -> memref<!tpu.dma_semaphore, #tpu.memory_space<semaphore_mem>>
    %dma_start3A_201 = arith.constant 0 : i32
    %dma_start3A_202 = arith.constant 0 : i32
    %dma_start3A_203 = tpu.memref_slice %arg7[%dma_start3A_191, %dma_start3A_201, %dma_start3A_202] : memref<7x4x4096xf32, #tpu.memory_space<vmem>> -> memref<1x4x4096xf32, #tpu.memory_space<vmem>>
    %dma_start3A_204 = tpu.memref_squeeze %dma_start3A_203 : memref<1x4x4096xf32, #tpu.memory_space<vmem>> -> memref<4x4096xf32, #tpu.memory_space<vmem>>
    %dma_start3A_205 = arith.constant 0 : i32
    %dma_start3A_206 = tpu.memref_slice %arg3[%add3A_190, %dma_start3A_205] : memref<16384x4096xf32, #tpu.memory_space<hbm>> -> memref<4x4096xf32, #tpu.memory_space<hbm>>
    tpu.enqueue_dma source(%dma_start3A_206 : memref<4x4096xf32, #tpu.memory_space<hbm>>) target(%dma_start3A_204 : memref<4x4096xf32, #tpu.memory_space<vmem>>) target_semaphore(%dma_start3A_200 : memref<!tpu.dma_semaphore, #tpu.memory_space<semaphore_mem>>)
    %add3A_207 = arith.constant 12 : i32
    %add3A_208 = arith.addi %mul3A_2, %add3A_207 : i32
    %dma_start3A_209 = arith.constant 3 : i32
    %dma_start3A_210 = arith.constant 3 : i32
    %dma_start3A_211 = arith.constant 0 : i32
    %dma_start3A_212 = arith.constant 0 : i32
    %dma_start3A_213 = tpu.memref_slice %arg7[%dma_start3A_209, %dma_start3A_211, %dma_start3A_212] : memref<7x4x4096xf32, #tpu.memory_space<vmem>> -> memref<1x4x4096xf32, #tpu.memory_space<vmem>>
    %dma_start3A_214 = tpu.memref_squeeze %dma_start3A_213 : memref<1x4x4096xf32, #tpu.memory_space<vmem>> -> memref<4x4096xf32, #tpu.memory_space<vmem>>
    %dma_start3A_215 = arith.constant 0 : i32
    %dma_start3A_216 = tpu.memref_slice %arg3[%add3A_208, %dma_start3A_215] : memref<16384x4096xf32, #tpu.memory_space<hbm>> -> memref<4x4096xf32, #tpu.memory_space<hbm>>
    %dma_start3A_217 = tpu.memref_slice %arg8[%dma_start3A_210] : memref<7x!tpu.dma_semaphore, #tpu.memory_space<semaphore_mem>> -> memref<1x!tpu.dma_semaphore, #tpu.memory_space<semaphore_mem>>
    %dma_start3A_218 = tpu.memref_squeeze %dma_start3A_217 : memref<1x!tpu.dma_semaphore, #tpu.memory_space<semaphore_mem>> -> memref<!tpu.dma_semaphore, #tpu.memory_space<semaphore_mem>>
    %dma_start3A_219 = arith.constant 0 : i32
    %dma_start3A_220 = arith.constant 0 : i32
    %dma_start3A_221 = tpu.memref_slice %arg7[%dma_start3A_209, %dma_start3A_219, %dma_start3A_220] : memref<7x4x4096xf32, #tpu.memory_space<vmem>> -> memref<1x4x4096xf32, #tpu.memory_space<vmem>>
    %dma_start3A_222 = tpu.memref_squeeze %dma_start3A_221 : memref<1x4x4096xf32, #tpu.memory_space<vmem>> -> memref<4x4096xf32, #tpu.memory_space<vmem>>
    %dma_start3A_223 = arith.constant 0 : i32
    %dma_start3A_224 = tpu.memref_slice %arg3[%add3A_208, %dma_start3A_223] : memref<16384x4096xf32, #tpu.memory_space<hbm>> -> memref<4x4096xf32, #tpu.memory_space<hbm>>
    tpu.enqueue_dma source(%dma_start3A_224 : memref<4x4096xf32, #tpu.memory_space<hbm>>) target(%dma_start3A_222 : memref<4x4096xf32, #tpu.memory_space<vmem>>) target_semaphore(%dma_start3A_218 : memref<!tpu.dma_semaphore, #tpu.memory_space<semaphore_mem>>)
    %add3A_225 = arith.constant 16 : i32
    %add3A_226 = arith.addi %mul3A_2, %add3A_225 : i32
    %dma_start3A_227 = arith.constant 4 : i32
    %dma_start3A_228 = arith.constant 4 : i32
    %dma_start3A_229 = arith.constant 0 : i32
    %dma_start3A_230 = arith.constant 0 : i32
    %dma_start3A_231 = tpu.memref_slice %arg7[%dma_start3A_227, %dma_start3A_229, %dma_start3A_230] : memref<7x4x4096xf32, #tpu.memory_space<vmem>> -> memref<1x4x4096xf32, #tpu.memory_space<vmem>>
    %dma_start3A_232 = tpu.memref_squeeze %dma_start3A_231 : memref<1x4x4096xf32, #tpu.memory_space<vmem>> -> memref<4x4096xf32, #tpu.memory_space<vmem>>
    %dma_start3A_233 = arith.constant 0 : i32
    %dma_start3A_234 = tpu.memref_slice %arg3[%add3A_226, %dma_start3A_233] : memref<16384x4096xf32, #tpu.memory_space<hbm>> -> memref<4x4096xf32, #tpu.memory_space<hbm>>
    %dma_start3A_235 = tpu.memref_slice %arg8[%dma_start3A_228] : memref<7x!tpu.dma_semaphore, #tpu.memory_space<semaphore_mem>> -> memref<1x!tpu.dma_semaphore, #tpu.memory_space<semaphore_mem>>
    %dma_start3A_236 = tpu.memref_squeeze %dma_start3A_235 : memref<1x!tpu.dma_semaphore, #tpu.memory_space<semaphore_mem>> -> memref<!tpu.dma_semaphore, #tpu.memory_space<semaphore_mem>>
    %dma_start3A_237 = arith.constant 0 : i32
    %dma_start3A_238 = arith.constant 0 : i32
    %dma_start3A_239 = tpu.memref_slice %arg7[%dma_start3A_227, %dma_start3A_237, %dma_start3A_238] : memref<7x4x4096xf32, #tpu.memory_space<vmem>> -> memref<1x4x4096xf32, #tpu.memory_space<vmem>>
    %dma_start3A_240 = tpu.memref_squeeze %dma_start3A_239 : memref<1x4x4096xf32, #tpu.memory_space<vmem>> -> memref<4x4096xf32, #tpu.memory_space<vmem>>
    %dma_start3A_241 = arith.constant 0 : i32
    %dma_start3A_242 = tpu.memref_slice %arg3[%add3A_226, %dma_start3A_241] : memref<16384x4096xf32, #tpu.memory_space<hbm>> -> memref<4x4096xf32, #tpu.memory_space<hbm>>
    tpu.enqueue_dma source(%dma_start3A_242 : memref<4x4096xf32, #tpu.memory_space<hbm>>) target(%dma_start3A_240 : memref<4x4096xf32, #tpu.memory_space<vmem>>) target_semaphore(%dma_start3A_236 : memref<!tpu.dma_semaphore, #tpu.memory_space<semaphore_mem>>)
    %add3A_243 = arith.constant 20 : i32
    %add3A_244 = arith.addi %mul3A_2, %add3A_243 : i32
    %dma_start3A_245 = arith.constant 5 : i32
    %dma_start3A_246 = arith.constant 5 : i32
    %dma_start3A_247 = arith.constant 0 : i32
    %dma_start3A_248 = arith.constant 0 : i32
    %dma_start3A_249 = tpu.memref_slice %arg7[%dma_start3A_245, %dma_start3A_247, %dma_start3A_248] : memref<7x4x4096xf32, #tpu.memory_space<vmem>> -> memref<1x4x4096xf32, #tpu.memory_space<vmem>>
    %dma_start3A_250 = tpu.memref_squeeze %dma_start3A_249 : memref<1x4x4096xf32, #tpu.memory_space<vmem>> -> memref<4x4096xf32, #tpu.memory_space<vmem>>
    %dma_start3A_251 = arith.constant 0 : i32
    %dma_start3A_252 = tpu.memref_slice %arg3[%add3A_244, %dma_start3A_251] : memref<16384x4096xf32, #tpu.memory_space<hbm>> -> memref<4x4096xf32, #tpu.memory_space<hbm>>
    %dma_start3A_253 = tpu.memref_slice %arg8[%dma_start3A_246] : memref<7x!tpu.dma_semaphore, #tpu.memory_space<semaphore_mem>> -> memref<1x!tpu.dma_semaphore, #tpu.memory_space<semaphore_mem>>
    %dma_start3A_254 = tpu.memref_squeeze %dma_start3A_253 : memref<1x!tpu.dma_semaphore, #tpu.memory_space<semaphore_mem>> -> memref<!tpu.dma_semaphore, #tpu.memory_space<semaphore_mem>>
    %dma_start3A_255 = arith.constant 0 : i32
    %dma_start3A_256 = arith.constant 0 : i32
    %dma_start3A_257 = tpu.memref_slice %arg7[%dma_start3A_245, %dma_start3A_255, %dma_start3A_256] : memref<7x4x4096xf32, #tpu.memory_space<vmem>> -> memref<1x4x4096xf32, #tpu.memory_space<vmem>>
    %dma_start3A_258 = tpu.memref_squeeze %dma_start3A_257 : memref<1x4x4096xf32, #tpu.memory_space<vmem>> -> memref<4x4096xf32, #tpu.memory_space<vmem>>
    %dma_start3A_259 = arith.constant 0 : i32
    %dma_start3A_260 = tpu.memref_slice %arg3[%add3A_244, %dma_start3A_259] : memref<16384x4096xf32, #tpu.memory_space<hbm>> -> memref<4x4096xf32, #tpu.memory_space<hbm>>
    tpu.enqueue_dma source(%dma_start3A_260 : memref<4x4096xf32, #tpu.memory_space<hbm>>) target(%dma_start3A_258 : memref<4x4096xf32, #tpu.memory_space<vmem>>) target_semaphore(%dma_start3A_254 : memref<!tpu.dma_semaphore, #tpu.memory_space<semaphore_mem>>)
    %add3A_261 = arith.constant 24 : i32
    %add3A_262 = arith.addi %mul3A_2, %add3A_261 : i32
    %dma_start3A_263 = arith.constant 6 : i32
    %dma_start3A_264 = arith.constant 6 : i32
    %dma_start3A_265 = arith.constant 0 : i32
    %dma_start3A_266 = arith.constant 0 : i32
    %dma_start3A_267 = tpu.memref_slice %arg7[%dma_start3A_263, %dma_start3A_265, %dma_start3A_266] : memref<7x4x4096xf32, #tpu.memory_space<vmem>> -> memref<1x4x4096xf32, #tpu.memory_space<vmem>>
    %dma_start3A_268 = tpu.memref_squeeze %dma_start3A_267 : memref<1x4x4096xf32, #tpu.memory_space<vmem>> -> memref<4x4096xf32, #tpu.memory_space<vmem>>
    %dma_start3A_269 = arith.constant 0 : i32
    %dma_start3A_270 = tpu.memref_slice %arg3[%add3A_262, %dma_start3A_269] : memref<16384x4096xf32, #tpu.memory_space<hbm>> -> memref<4x4096xf32, #tpu.memory_space<hbm>>
    %dma_start3A_271 = tpu.memref_slice %arg8[%dma_start3A_264] : memref<7x!tpu.dma_semaphore, #tpu.memory_space<semaphore_mem>> -> memref<1x!tpu.dma_semaphore, #tpu.memory_space<semaphore_mem>>
    %dma_start3A_272 = tpu.memref_squeeze %dma_start3A_271 : memref<1x!tpu.dma_semaphore, #tpu.memory_space<semaphore_mem>> -> memref<!tpu.dma_semaphore, #tpu.memory_space<semaphore_mem>>
    %dma_start3A_273 = arith.constant 0 : i32
    %dma_start3A_274 = arith.constant 0 : i32
    %dma_start3A_275 = tpu.memref_slice %arg7[%dma_start3A_263, %dma_start3A_273, %dma_start3A_274] : memref<7x4x4096xf32, #tpu.memory_space<vmem>> -> memref<1x4x4096xf32, #tpu.memory_space<vmem>>
    %dma_start3A_276 = tpu.memref_squeeze %dma_start3A_275 : memref<1x4x4096xf32, #tpu.memory_space<vmem>> -> memref<4x4096xf32, #tpu.memory_space<vmem>>
    %dma_start3A_277 = arith.constant 0 : i32
    %dma_start3A_278 = tpu.memref_slice %arg3[%add3A_262, %dma_start3A_277] : memref<16384x4096xf32, #tpu.memory_space<hbm>> -> memref<4x4096xf32, #tpu.memory_space<hbm>>
    tpu.enqueue_dma source(%dma_start3A_278 : memref<4x4096xf32, #tpu.memory_space<hbm>>) target(%dma_start3A_276 : memref<4x4096xf32, #tpu.memory_space<vmem>>) target_semaphore(%dma_start3A_272 : memref<!tpu.dma_semaphore, #tpu.memory_space<semaphore_mem>>)
    %add3A_279 = arith.constant 0 : i32
    %add3A_280 = arith.addi %mul3A_2, %add3A_279 : i32
    %dma_wait3A = arith.constant 0 : i32
    %dma_wait3A_281 = arith.constant 0 : i32
    %dma_wait3A_282 = arith.constant 0 : i32
    %dma_wait3A_283 = arith.constant 0 : i32
    %dma_wait3A_284 = tpu.memref_slice %arg7[%dma_wait3A, %dma_wait3A_282, %dma_wait3A_283] : memref<7x4x4096xf32, #tpu.memory_space<vmem>> -> memref<1x4x4096xf32, #tpu.memory_space<vmem>>
    %dma_wait3A_285 = tpu.memref_squeeze %dma_wait3A_284 : memref<1x4x4096xf32, #tpu.memory_space<vmem>> -> memref<4x4096xf32, #tpu.memory_space<vmem>>
    %dma_wait3A_286 = arith.constant 0 : i32
    %dma_wait3A_287 = tpu.memref_slice %arg3[%add3A_280, %dma_wait3A_286] : memref<16384x4096xf32, #tpu.memory_space<hbm>> -> memref<4x4096xf32, #tpu.memory_space<hbm>>
    %dma_wait3A_288 = tpu.memref_slice %arg8[%dma_wait3A_281] : memref<7x!tpu.dma_semaphore, #tpu.memory_space<semaphore_mem>> -> memref<1x!tpu.dma_semaphore, #tpu.memory_space<semaphore_mem>>
    %dma_wait3A_289 = tpu.memref_squeeze %dma_wait3A_288 : memref<1x!tpu.dma_semaphore, #tpu.memory_space<semaphore_mem>> -> memref<!tpu.dma_semaphore, #tpu.memory_space<semaphore_mem>>
    %dma_wait3A_290 = arith.constant 0 : i32
    %dma_wait3A_291 = arith.constant 0 : i32
    %dma_wait3A_292 = tpu.memref_slice %arg7[%dma_wait3A, %dma_wait3A_290, %dma_wait3A_291] : memref<7x4x4096xf32, #tpu.memory_space<vmem>> -> memref<1x4x4096xf32, #tpu.memory_space<vmem>>
    %dma_wait3A_293 = tpu.memref_squeeze %dma_wait3A_292 : memref<1x4x4096xf32, #tpu.memory_space<vmem>> -> memref<4x4096xf32, #tpu.memory_space<vmem>>
    %dma_wait3A_294 = arith.constant 0 : i32
    %dma_wait3A_295 = tpu.memref_slice %arg3[%add3A_280, %dma_wait3A_294] : memref<16384x4096xf32, #tpu.memory_space<hbm>> -> memref<4x4096xf32, #tpu.memory_space<hbm>>
    tpu.wait_dma2 semaphore(%dma_wait3A_289 : memref<!tpu.dma_semaphore, #tpu.memory_space<semaphore_mem>>) src(%dma_wait3A_295 : memref<4x4096xf32, #tpu.memory_space<hbm>>) dst(%dma_wait3A_293 : memref<4x4096xf32, #tpu.memory_space<vmem>>)
    %add3A_296 = arith.constant 28 : i32
    %add3A_297 = arith.addi %mul3A_2, %add3A_296 : i32
    %dma_start3A_298 = arith.constant 0 : i32
    %dma_start3A_299 = arith.constant 0 : i32
    %dma_start3A_300 = arith.constant 0 : i32
    %dma_start3A_301 = arith.constant 0 : i32
    %dma_start3A_302 = tpu.memref_slice %arg7[%dma_start3A_298, %dma_start3A_300, %dma_start3A_301] : memref<7x4x4096xf32, #tpu.memory_space<vmem>> -> memref<1x4x4096xf32, #tpu.memory_space<vmem>>
    %dma_start3A_303 = tpu.memref_squeeze %dma_start3A_302 : memref<1x4x4096xf32, #tpu.memory_space<vmem>> -> memref<4x4096xf32, #tpu.memory_space<vmem>>
    %dma_start3A_304 = arith.constant 0 : i32
    %dma_start3A_305 = tpu.memref_slice %arg3[%add3A_297, %dma_start3A_304] : memref<16384x4096xf32, #tpu.memory_space<hbm>> -> memref<4x4096xf32, #tpu.memory_space<hbm>>
    %dma_start3A_306 = tpu.memref_slice %arg8[%dma_start3A_299] : memref<7x!tpu.dma_semaphore, #tpu.memory_space<semaphore_mem>> -> memref<1x!tpu.dma_semaphore, #tpu.memory_space<semaphore_mem>>
    %dma_start3A_307 = tpu.memref_squeeze %dma_start3A_306 : memref<1x!tpu.dma_semaphore, #tpu.memory_space<semaphore_mem>> -> memref<!tpu.dma_semaphore, #tpu.memory_space<semaphore_mem>>
    %dma_start3A_308 = arith.constant 0 : i32
    %dma_start3A_309 = arith.constant 0 : i32
    %dma_start3A_310 = tpu.memref_slice %arg7[%dma_start3A_298, %dma_start3A_308, %dma_start3A_309] : memref<7x4x4096xf32, #tpu.memory_space<vmem>> -> memref<1x4x4096xf32, #tpu.memory_space<vmem>>
    %dma_start3A_311 = tpu.memref_squeeze %dma_start3A_310 : memref<1x4x4096xf32, #tpu.memory_space<vmem>> -> memref<4x4096xf32, #tpu.memory_space<vmem>>
    %dma_start3A_312 = arith.constant 0 : i32
    %dma_start3A_313 = tpu.memref_slice %arg3[%add3A_297, %dma_start3A_312] : memref<16384x4096xf32, #tpu.memory_space<hbm>> -> memref<4x4096xf32, #tpu.memory_space<hbm>>
    tpu.enqueue_dma source(%dma_start3A_313 : memref<4x4096xf32, #tpu.memory_space<hbm>>) target(%dma_start3A_311 : memref<4x4096xf32, #tpu.memory_space<vmem>>) target_semaphore(%dma_start3A_307 : memref<!tpu.dma_semaphore, #tpu.memory_space<semaphore_mem>>)
    %add3A_314 = arith.constant 4 : i32
    %add3A_315 = arith.addi %mul3A_2, %add3A_314 : i32
    %dma_wait3A_316 = arith.constant 1 : i32
    %dma_wait3A_317 = arith.constant 1 : i32
    %dma_wait3A_318 = arith.constant 0 : i32
    %dma_wait3A_319 = arith.constant 0 : i32
    %dma_wait3A_320 = tpu.memref_slice %arg7[%dma_wait3A_316, %dma_wait3A_318, %dma_wait3A_319] : memref<7x4x4096xf32, #tpu.memory_space<vmem>> -> memref<1x4x4096xf32, #tpu.memory_space<vmem>>
    %dma_wait3A_321 = tpu.memref_squeeze %dma_wait3A_320 : memref<1x4x4096xf32, #tpu.memory_space<vmem>> -> memref<4x4096xf32, #tpu.memory_space<vmem>>
    %dma_wait3A_322 = arith.constant 0 : i32
    %dma_wait3A_323 = tpu.memref_slice %arg3[%add3A_315, %dma_wait3A_322] : memref<16384x4096xf32, #tpu.memory_space<hbm>> -> memref<4x4096xf32, #tpu.memory_space<hbm>>
    %dma_wait3A_324 = tpu.memref_slice %arg8[%dma_wait3A_317] : memref<7x!tpu.dma_semaphore, #tpu.memory_space<semaphore_mem>> -> memref<1x!tpu.dma_semaphore, #tpu.memory_space<semaphore_mem>>
    %dma_wait3A_325 = tpu.memref_squeeze %dma_wait3A_324 : memref<1x!tpu.dma_semaphore, #tpu.memory_space<semaphore_mem>> -> memref<!tpu.dma_semaphore, #tpu.memory_space<semaphore_mem>>
    %dma_wait3A_326 = arith.constant 0 : i32
    %dma_wait3A_327 = arith.constant 0 : i32
    %dma_wait3A_328 = tpu.memref_slice %arg7[%dma_wait3A_316, %dma_wait3A_326, %dma_wait3A_327] : memref<7x4x4096xf32, #tpu.memory_space<vmem>> -> memref<1x4x4096xf32, #tpu.memory_space<vmem>>
    %dma_wait3A_329 = tpu.memref_squeeze %dma_wait3A_328 : memref<1x4x4096xf32, #tpu.memory_space<vmem>> -> memref<4x4096xf32, #tpu.memory_space<vmem>>
    %dma_wait3A_330 = arith.constant 0 : i32
    %dma_wait3A_331 = tpu.memref_slice %arg3[%add3A_315, %dma_wait3A_330] : memref<16384x4096xf32, #tpu.memory_space<hbm>> -> memref<4x4096xf32, #tpu.memory_space<hbm>>
    tpu.wait_dma2 semaphore(%dma_wait3A_325 : memref<!tpu.dma_semaphore, #tpu.memory_space<semaphore_mem>>) src(%dma_wait3A_331 : memref<4x4096xf32, #tpu.memory_space<hbm>>) dst(%dma_wait3A_329 : memref<4x4096xf32, #tpu.memory_space<vmem>>)
    %add3A_332 = arith.constant 32 : i32
    %add3A_333 = arith.addi %mul3A_2, %add3A_332 : i32
    %dma_start3A_334 = arith.constant 1 : i32
    %dma_start3A_335 = arith.constant 1 : i32
    %dma_start3A_336 = arith.constant 0 : i32
    %dma_start3A_337 = arith.constant 0 : i32
    %dma_start3A_338 = tpu.memref_slice %arg7[%dma_start3A_334, %dma_start3A_336, %dma_start3A_337] : memref<7x4x4096xf32, #tpu.memory_space<vmem>> -> memref<1x4x4096xf32, #tpu.memory_space<vmem>>
    %dma_start3A_339 = tpu.memref_squeeze %dma_start3A_338 : memref<1x4x4096xf32, #tpu.memory_space<vmem>> -> memref<4x4096xf32, #tpu.memory_space<vmem>>
    %dma_start3A_340 = arith.constant 0 : i32
    %dma_start3A_341 = tpu.memref_slice %arg3[%add3A_333, %dma_start3A_340] : memref<16384x4096xf32, #tpu.memory_space<hbm>> -> memref<4x4096xf32, #tpu.memory_space<hbm>>
    %dma_start3A_342 = tpu.memref_slice %arg8[%dma_start3A_335] : memref<7x!tpu.dma_semaphore, #tpu.memory_space<semaphore_mem>> -> memref<1x!tpu.dma_semaphore, #tpu.memory_space<semaphore_mem>>
    %dma_start3A_343 = tpu.memref_squeeze %dma_start3A_342 : memref<1x!tpu.dma_semaphore, #tpu.memory_space<semaphore_mem>> -> memref<!tpu.dma_semaphore, #tpu.memory_space<semaphore_mem>>
    %dma_start3A_344 = arith.constant 0 : i32
    %dma_start3A_345 = arith.constant 0 : i32
    %dma_start3A_346 = tpu.memref_slice %arg7[%dma_start3A_334, %dma_start3A_344, %dma_start3A_345] : memref<7x4x4096xf32, #tpu.memory_space<vmem>> -> memref<1x4x4096xf32, #tpu.memory_space<vmem>>
    %dma_start3A_347 = tpu.memref_squeeze %dma_start3A_346 : memref<1x4x4096xf32, #tpu.memory_space<vmem>> -> memref<4x4096xf32, #tpu.memory_space<vmem>>
    %dma_start3A_348 = arith.constant 0 : i32
    %dma_start3A_349 = tpu.memref_slice %arg3[%add3A_333, %dma_start3A_348] : memref<16384x4096xf32, #tpu.memory_space<hbm>> -> memref<4x4096xf32, #tpu.memory_space<hbm>>
    tpu.enqueue_dma source(%dma_start3A_349 : memref<4x4096xf32, #tpu.memory_space<hbm>>) target(%dma_start3A_347 : memref<4x4096xf32, #tpu.memory_space<vmem>>) target_semaphore(%dma_start3A_343 : memref<!tpu.dma_semaphore, #tpu.memory_space<semaphore_mem>>)
    %add3A_350 = arith.constant 8 : i32
    %add3A_351 = arith.addi %mul3A_2, %add3A_350 : i32
    %dma_wait3A_352 = arith.constant 2 : i32
    %dma_wait3A_353 = arith.constant 2 : i32
    %dma_wait3A_354 = arith.constant 0 : i32
    %dma_wait3A_355 = arith.constant 0 : i32
    %dma_wait3A_356 = tpu.memref_slice %arg7[%dma_wait3A_352, %dma_wait3A_354, %dma_wait3A_355] : memref<7x4x4096xf32, #tpu.memory_space<vmem>> -> memref<1x4x4096xf32, #tpu.memory_space<vmem>>
    %dma_wait3A_357 = tpu.memref_squeeze %dma_wait3A_356 : memref<1x4x4096xf32, #tpu.memory_space<vmem>> -> memref<4x4096xf32, #tpu.memory_space<vmem>>
    %dma_wait3A_358 = arith.constant 0 : i32
    %dma_wait3A_359 = tpu.memref_slice %arg3[%add3A_351, %dma_wait3A_358] : memref<16384x4096xf32, #tpu.memory_space<hbm>> -> memref<4x4096xf32, #tpu.memory_space<hbm>>
    %dma_wait3A_360 = tpu.memref_slice %arg8[%dma_wait3A_353] : memref<7x!tpu.dma_semaphore, #tpu.memory_space<semaphore_mem>> -> memref<1x!tpu.dma_semaphore, #tpu.memory_space<semaphore_mem>>
    %dma_wait3A_361 = tpu.memref_squeeze %dma_wait3A_360 : memref<1x!tpu.dma_semaphore, #tpu.memory_space<semaphore_mem>> -> memref<!tpu.dma_semaphore, #tpu.memory_space<semaphore_mem>>
    %dma_wait3A_362 = arith.constant 0 : i32
    %dma_wait3A_363 = arith.constant 0 : i32
    %dma_wait3A_364 = tpu.memref_slice %arg7[%dma_wait3A_352, %dma_wait3A_362, %dma_wait3A_363] : memref<7x4x4096xf32, #tpu.memory_space<vmem>> -> memref<1x4x4096xf32, #tpu.memory_space<vmem>>
    %dma_wait3A_365 = tpu.memref_squeeze %dma_wait3A_364 : memref<1x4x4096xf32, #tpu.memory_space<vmem>> -> memref<4x4096xf32, #tpu.memory_space<vmem>>
    %dma_wait3A_366 = arith.constant 0 : i32
    %dma_wait3A_367 = tpu.memref_slice %arg3[%add3A_351, %dma_wait3A_366] : memref<16384x4096xf32, #tpu.memory_space<hbm>> -> memref<4x4096xf32, #tpu.memory_space<hbm>>
    tpu.wait_dma2 semaphore(%dma_wait3A_361 : memref<!tpu.dma_semaphore, #tpu.memory_space<semaphore_mem>>) src(%dma_wait3A_367 : memref<4x4096xf32, #tpu.memory_space<hbm>>) dst(%dma_wait3A_365 : memref<4x4096xf32, #tpu.memory_space<vmem>>)
    %add3A_368 = arith.constant 36 : i32
    %add3A_369 = arith.addi %mul3A_2, %add3A_368 : i32
    %dma_start3A_370 = arith.constant 2 : i32
    %dma_start3A_371 = arith.constant 2 : i32
    %dma_start3A_372 = arith.constant 0 : i32
    %dma_start3A_373 = arith.constant 0 : i32
    %dma_start3A_374 = tpu.memref_slice %arg7[%dma_start3A_370, %dma_start3A_372, %dma_start3A_373] : memref<7x4x4096xf32, #tpu.memory_space<vmem>> -> memref<1x4x4096xf32, #tpu.memory_space<vmem>>
    %dma_start3A_375 = tpu.memref_squeeze %dma_start3A_374 : memref<1x4x4096xf32, #tpu.memory_space<vmem>> -> memref<4x4096xf32, #tpu.memory_space<vmem>>
    %dma_start3A_376 = arith.constant 0 : i32
    %dma_start3A_377 = tpu.memref_slice %arg3[%add3A_369, %dma_start3A_376] : memref<16384x4096xf32, #tpu.memory_space<hbm>> -> memref<4x4096xf32, #tpu.memory_space<hbm>>
    %dma_start3A_378 = tpu.memref_slice %arg8[%dma_start3A_371] : memref<7x!tpu.dma_semaphore, #tpu.memory_space<semaphore_mem>> -> memref<1x!tpu.dma_semaphore, #tpu.memory_space<semaphore_mem>>
    %dma_start3A_379 = tpu.memref_squeeze %dma_start3A_378 : memref<1x!tpu.dma_semaphore, #tpu.memory_space<semaphore_mem>> -> memref<!tpu.dma_semaphore, #tpu.memory_space<semaphore_mem>>
    %dma_start3A_380 = arith.constant 0 : i32
    %dma_start3A_381 = arith.constant 0 : i32
    %dma_start3A_382 = tpu.memref_slice %arg7[%dma_start3A_370, %dma_start3A_380, %dma_start3A_381] : memref<7x4x4096xf32, #tpu.memory_space<vmem>> -> memref<1x4x4096xf32, #tpu.memory_space<vmem>>
    %dma_start3A_383 = tpu.memref_squeeze %dma_start3A_382 : memref<1x4x4096xf32, #tpu.memory_space<vmem>> -> memref<4x4096xf32, #tpu.memory_space<vmem>>
    %dma_start3A_384 = arith.constant 0 : i32
    %dma_start3A_385 = tpu.memref_slice %arg3[%add3A_369, %dma_start3A_384] : memref<16384x4096xf32, #tpu.memory_space<hbm>> -> memref<4x4096xf32, #tpu.memory_space<hbm>>
    tpu.enqueue_dma source(%dma_start3A_385 : memref<4x4096xf32, #tpu.memory_space<hbm>>) target(%dma_start3A_383 : memref<4x4096xf32, #tpu.memory_space<vmem>>) target_semaphore(%dma_start3A_379 : memref<!tpu.dma_semaphore, #tpu.memory_space<semaphore_mem>>)
    %add3A_386 = arith.constant 12 : i32
    %add3A_387 = arith.addi %mul3A_2, %add3A_386 : i32
    %dma_wait3A_388 = arith.constant 3 : i32
    %dma_wait3A_389 = arith.constant 3 : i32
    %dma_wait3A_390 = arith.constant 0 : i32
    %dma_wait3A_391 = arith.constant 0 : i32
    %dma_wait3A_392 = tpu.memref_slice %arg7[%dma_wait3A_388, %dma_wait3A_390, %dma_wait3A_391] : memref<7x4x4096xf32, #tpu.memory_space<vmem>> -> memref<1x4x4096xf32, #tpu.memory_space<vmem>>
    %dma_wait3A_393 = tpu.memref_squeeze %dma_wait3A_392 : memref<1x4x4096xf32, #tpu.memory_space<vmem>> -> memref<4x4096xf32, #tpu.memory_space<vmem>>
    %dma_wait3A_394 = arith.constant 0 : i32
    %dma_wait3A_395 = tpu.memref_slice %arg3[%add3A_387, %dma_wait3A_394] : memref<16384x4096xf32, #tpu.memory_space<hbm>> -> memref<4x4096xf32, #tpu.memory_space<hbm>>
    %dma_wait3A_396 = tpu.memref_slice %arg8[%dma_wait3A_389] : memref<7x!tpu.dma_semaphore, #tpu.memory_space<semaphore_mem>> -> memref<1x!tpu.dma_semaphore, #tpu.memory_space<semaphore_mem>>
    %dma_wait3A_397 = tpu.memref_squeeze %dma_wait3A_396 : memref<1x!tpu.dma_semaphore, #tpu.memory_space<semaphore_mem>> -> memref<!tpu.dma_semaphore, #tpu.memory_space<semaphore_mem>>
    %dma_wait3A_398 = arith.constant 0 : i32
    %dma_wait3A_399 = arith.constant 0 : i32
    %dma_wait3A_400 = tpu.memref_slice %arg7[%dma_wait3A_388, %dma_wait3A_398, %dma_wait3A_399] : memref<7x4x4096xf32, #tpu.memory_space<vmem>> -> memref<1x4x4096xf32, #tpu.memory_space<vmem>>
    %dma_wait3A_401 = tpu.memref_squeeze %dma_wait3A_400 : memref<1x4x4096xf32, #tpu.memory_space<vmem>> -> memref<4x4096xf32, #tpu.memory_space<vmem>>
    %dma_wait3A_402 = arith.constant 0 : i32
    %dma_wait3A_403 = tpu.memref_slice %arg3[%add3A_387, %dma_wait3A_402] : memref<16384x4096xf32, #tpu.memory_space<hbm>> -> memref<4x4096xf32, #tpu.memory_space<hbm>>
    tpu.wait_dma2 semaphore(%dma_wait3A_397 : memref<!tpu.dma_semaphore, #tpu.memory_space<semaphore_mem>>) src(%dma_wait3A_403 : memref<4x4096xf32, #tpu.memory_space<hbm>>) dst(%dma_wait3A_401 : memref<4x4096xf32, #tpu.memory_space<vmem>>)
    %add3A_404 = arith.constant 40 : i32
    %add3A_405 = arith.addi %mul3A_2, %add3A_404 : i32
    %dma_start3A_406 = arith.constant 3 : i32
    %dma_start3A_407 = arith.constant 3 : i32
    %dma_start3A_408 = arith.constant 0 : i32
    %dma_start3A_409 = arith.constant 0 : i32
    %dma_start3A_410 = tpu.memref_slice %arg7[%dma_start3A_406, %dma_start3A_408, %dma_start3A_409] : memref<7x4x4096xf32, #tpu.memory_space<vmem>> -> memref<1x4x4096xf32, #tpu.memory_space<vmem>>
    %dma_start3A_411 = tpu.memref_squeeze %dma_start3A_410 : memref<1x4x4096xf32, #tpu.memory_space<vmem>> -> memref<4x4096xf32, #tpu.memory_space<vmem>>
    %dma_start3A_412 = arith.constant 0 : i32
    %dma_start3A_413 = tpu.memref_slice %arg3[%add3A_405, %dma_start3A_412] : memref<16384x4096xf32, #tpu.memory_space<hbm>> -> memref<4x4096xf32, #tpu.memory_space<hbm>>
    %dma_start3A_414 = tpu.memref_slice %arg8[%dma_start3A_407] : memref<7x!tpu.dma_semaphore, #tpu.memory_space<semaphore_mem>> -> memref<1x!tpu.dma_semaphore, #tpu.memory_space<semaphore_mem>>
    %dma_start3A_415 = tpu.memref_squeeze %dma_start3A_414 : memref<1x!tpu.dma_semaphore, #tpu.memory_space<semaphore_mem>> -> memref<!tpu.dma_semaphore, #tpu.memory_space<semaphore_mem>>
    %dma_start3A_416 = arith.constant 0 : i32
    %dma_start3A_417 = arith.constant 0 : i32
    %dma_start3A_418 = tpu.memref_slice %arg7[%dma_start3A_406, %dma_start3A_416, %dma_start3A_417] : memref<7x4x4096xf32, #tpu.memory_space<vmem>> -> memref<1x4x4096xf32, #tpu.memory_space<vmem>>
    %dma_start3A_419 = tpu.memref_squeeze %dma_start3A_418 : memref<1x4x4096xf32, #tpu.memory_space<vmem>> -> memref<4x4096xf32, #tpu.memory_space<vmem>>
    %dma_start3A_420 = arith.constant 0 : i32
    %dma_start3A_421 = tpu.memref_slice %arg3[%add3A_405, %dma_start3A_420] : memref<16384x4096xf32, #tpu.memory_space<hbm>> -> memref<4x4096xf32, #tpu.memory_space<hbm>>
    tpu.enqueue_dma source(%dma_start3A_421 : memref<4x4096xf32, #tpu.memory_space<hbm>>) target(%dma_start3A_419 : memref<4x4096xf32, #tpu.memory_space<vmem>>) target_semaphore(%dma_start3A_415 : memref<!tpu.dma_semaphore, #tpu.memory_space<semaphore_mem>>)
    %add3A_422 = arith.constant 16 : i32
    %add3A_423 = arith.addi %mul3A_2, %add3A_422 : i32
    %dma_wait3A_424 = arith.constant 4 : i32
    %dma_wait3A_425 = arith.constant 4 : i32
    %dma_wait3A_426 = arith.constant 0 : i32
    %dma_wait3A_427 = arith.constant 0 : i32
    %dma_wait3A_428 = tpu.memref_slice %arg7[%dma_wait3A_424, %dma_wait3A_426, %dma_wait3A_427] : memref<7x4x4096xf32, #tpu.memory_space<vmem>> -> memref<1x4x4096xf32, #tpu.memory_space<vmem>>
    %dma_wait3A_429 = tpu.memref_squeeze %dma_wait3A_428 : memref<1x4x4096xf32, #tpu.memory_space<vmem>> -> memref<4x4096xf32, #tpu.memory_space<vmem>>
    %dma_wait3A_430 = arith.constant 0 : i32
    %dma_wait3A_431 = tpu.memref_slice %arg3[%add3A_423, %dma_wait3A_430] : memref<16384x4096xf32, #tpu.memory_space<hbm>> -> memref<4x4096xf32, #tpu.memory_space<hbm>>
    %dma_wait3A_432 = tpu.memref_slice %arg8[%dma_wait3A_425] : memref<7x!tpu.dma_semaphore, #tpu.memory_space<semaphore_mem>> -> memref<1x!tpu.dma_semaphore, #tpu.memory_space<semaphore_mem>>
    %dma_wait3A_433 = tpu.memref_squeeze %dma_wait3A_432 : memref<1x!tpu.dma_semaphore, #tpu.memory_space<semaphore_mem>> -> memref<!tpu.dma_semaphore, #tpu.memory_space<semaphore_mem>>
    %dma_wait3A_434 = arith.constant 0 : i32
    %dma_wait3A_435 = arith.constant 0 : i32
    %dma_wait3A_436 = tpu.memref_slice %arg7[%dma_wait3A_424, %dma_wait3A_434, %dma_wait3A_435] : memref<7x4x4096xf32, #tpu.memory_space<vmem>> -> memref<1x4x4096xf32, #tpu.memory_space<vmem>>
    %dma_wait3A_437 = tpu.memref_squeeze %dma_wait3A_436 : memref<1x4x4096xf32, #tpu.memory_space<vmem>> -> memref<4x4096xf32, #tpu.memory_space<vmem>>
    %dma_wait3A_438 = arith.constant 0 : i32
    %dma_wait3A_439 = tpu.memref_slice %arg3[%add3A_423, %dma_wait3A_438] : memref<16384x4096xf32, #tpu.memory_space<hbm>> -> memref<4x4096xf32, #tpu.memory_space<hbm>>
    tpu.wait_dma2 semaphore(%dma_wait3A_433 : memref<!tpu.dma_semaphore, #tpu.memory_space<semaphore_mem>>) src(%dma_wait3A_439 : memref<4x4096xf32, #tpu.memory_space<hbm>>) dst(%dma_wait3A_437 : memref<4x4096xf32, #tpu.memory_space<vmem>>)
    %add3A_440 = arith.constant 44 : i32
    %add3A_441 = arith.addi %mul3A_2, %add3A_440 : i32
    %dma_start3A_442 = arith.constant 4 : i32
    %dma_start3A_443 = arith.constant 4 : i32
    %dma_start3A_444 = arith.constant 0 : i32
    %dma_start3A_445 = arith.constant 0 : i32
    %dma_start3A_446 = tpu.memref_slice %arg7[%dma_start3A_442, %dma_start3A_444, %dma_start3A_445] : memref<7x4x4096xf32, #tpu.memory_space<vmem>> -> memref<1x4x4096xf32, #tpu.memory_space<vmem>>
    %dma_start3A_447 = tpu.memref_squeeze %dma_start3A_446 : memref<1x4x4096xf32, #tpu.memory_space<vmem>> -> memref<4x4096xf32, #tpu.memory_space<vmem>>
    %dma_start3A_448 = arith.constant 0 : i32
    %dma_start3A_449 = tpu.memref_slice %arg3[%add3A_441, %dma_start3A_448] : memref<16384x4096xf32, #tpu.memory_space<hbm>> -> memref<4x4096xf32, #tpu.memory_space<hbm>>
    %dma_start3A_450 = tpu.memref_slice %arg8[%dma_start3A_443] : memref<7x!tpu.dma_semaphore, #tpu.memory_space<semaphore_mem>> -> memref<1x!tpu.dma_semaphore, #tpu.memory_space<semaphore_mem>>
    %dma_start3A_451 = tpu.memref_squeeze %dma_start3A_450 : memref<1x!tpu.dma_semaphore, #tpu.memory_space<semaphore_mem>> -> memref<!tpu.dma_semaphore, #tpu.memory_space<semaphore_mem>>
    %dma_start3A_452 = arith.constant 0 : i32
    %dma_start3A_453 = arith.constant 0 : i32
    %dma_start3A_454 = tpu.memref_slice %arg7[%dma_start3A_442, %dma_start3A_452, %dma_start3A_453] : memref<7x4x4096xf32, #tpu.memory_space<vmem>> -> memref<1x4x4096xf32, #tpu.memory_space<vmem>>
    %dma_start3A_455 = tpu.memref_squeeze %dma_start3A_454 : memref<1x4x4096xf32, #tpu.memory_space<vmem>> -> memref<4x4096xf32, #tpu.memory_space<vmem>>
    %dma_start3A_456 = arith.constant 0 : i32
    %dma_start3A_457 = tpu.memref_slice %arg3[%add3A_441, %dma_start3A_456] : memref<16384x4096xf32, #tpu.memory_space<hbm>> -> memref<4x4096xf32, #tpu.memory_space<hbm>>
    tpu.enqueue_dma source(%dma_start3A_457 : memref<4x4096xf32, #tpu.memory_space<hbm>>) target(%dma_start3A_455 : memref<4x4096xf32, #tpu.memory_space<vmem>>) target_semaphore(%dma_start3A_451 : memref<!tpu.dma_semaphore, #tpu.memory_space<semaphore_mem>>)
    %add3A_458 = arith.constant 20 : i32
    %add3A_459 = arith.addi %mul3A_2, %add3A_458 : i32
    %dma_wait3A_460 = arith.constant 5 : i32
    %dma_wait3A_461 = arith.constant 5 : i32
    %dma_wait3A_462 = arith.constant 0 : i32
    %dma_wait3A_463 = arith.constant 0 : i32
    %dma_wait3A_464 = tpu.memref_slice %arg7[%dma_wait3A_460, %dma_wait3A_462, %dma_wait3A_463] : memref<7x4x4096xf32, #tpu.memory_space<vmem>> -> memref<1x4x4096xf32, #tpu.memory_space<vmem>>
    %dma_wait3A_465 = tpu.memref_squeeze %dma_wait3A_464 : memref<1x4x4096xf32, #tpu.memory_space<vmem>> -> memref<4x4096xf32, #tpu.memory_space<vmem>>
    %dma_wait3A_466 = arith.constant 0 : i32
    %dma_wait3A_467 = tpu.memref_slice %arg3[%add3A_459, %dma_wait3A_466] : memref<16384x4096xf32, #tpu.memory_space<hbm>> -> memref<4x4096xf32, #tpu.memory_space<hbm>>
    %dma_wait3A_468 = tpu.memref_slice %arg8[%dma_wait3A_461] : memref<7x!tpu.dma_semaphore, #tpu.memory_space<semaphore_mem>> -> memref<1x!tpu.dma_semaphore, #tpu.memory_space<semaphore_mem>>
    %dma_wait3A_469 = tpu.memref_squeeze %dma_wait3A_468 : memref<1x!tpu.dma_semaphore, #tpu.memory_space<semaphore_mem>> -> memref<!tpu.dma_semaphore, #tpu.memory_space<semaphore_mem>>
    %dma_wait3A_470 = arith.constant 0 : i32
    %dma_wait3A_471 = arith.constant 0 : i32
    %dma_wait3A_472 = tpu.memref_slice %arg7[%dma_wait3A_460, %dma_wait3A_470, %dma_wait3A_471] : memref<7x4x4096xf32, #tpu.memory_space<vmem>> -> memref<1x4x4096xf32, #tpu.memory_space<vmem>>
    %dma_wait3A_473 = tpu.memref_squeeze %dma_wait3A_472 : memref<1x4x4096xf32, #tpu.memory_space<vmem>> -> memref<4x4096xf32, #tpu.memory_space<vmem>>
    %dma_wait3A_474 = arith.constant 0 : i32
    %dma_wait3A_475 = tpu.memref_slice %arg3[%add3A_459, %dma_wait3A_474] : memref<16384x4096xf32, #tpu.memory_space<hbm>> -> memref<4x4096xf32, #tpu.memory_space<hbm>>
    tpu.wait_dma2 semaphore(%dma_wait3A_469 : memref<!tpu.dma_semaphore, #tpu.memory_space<semaphore_mem>>) src(%dma_wait3A_475 : memref<4x4096xf32, #tpu.memory_space<hbm>>) dst(%dma_wait3A_473 : memref<4x4096xf32, #tpu.memory_space<vmem>>)
    %add3A_476 = arith.constant 48 : i32
    %add3A_477 = arith.addi %mul3A_2, %add3A_476 : i32
    %dma_start3A_478 = arith.constant 5 : i32
    %dma_start3A_479 = arith.constant 5 : i32
    %dma_start3A_480 = arith.constant 0 : i32
    %dma_start3A_481 = arith.constant 0 : i32
    %dma_start3A_482 = tpu.memref_slice %arg7[%dma_start3A_478, %dma_start3A_480, %dma_start3A_481] : memref<7x4x4096xf32, #tpu.memory_space<vmem>> -> memref<1x4x4096xf32, #tpu.memory_space<vmem>>
    %dma_start3A_483 = tpu.memref_squeeze %dma_start3A_482 : memref<1x4x4096xf32, #tpu.memory_space<vmem>> -> memref<4x4096xf32, #tpu.memory_space<vmem>>
    %dma_start3A_484 = arith.constant 0 : i32
    %dma_start3A_485 = tpu.memref_slice %arg3[%add3A_477, %dma_start3A_484] : memref<16384x4096xf32, #tpu.memory_space<hbm>> -> memref<4x4096xf32, #tpu.memory_space<hbm>>
    %dma_start3A_486 = tpu.memref_slice %arg8[%dma_start3A_479] : memref<7x!tpu.dma_semaphore, #tpu.memory_space<semaphore_mem>> -> memref<1x!tpu.dma_semaphore, #tpu.memory_space<semaphore_mem>>
    %dma_start3A_487 = tpu.memref_squeeze %dma_start3A_486 : memref<1x!tpu.dma_semaphore, #tpu.memory_space<semaphore_mem>> -> memref<!tpu.dma_semaphore, #tpu.memory_space<semaphore_mem>>
    %dma_start3A_488 = arith.constant 0 : i32
    %dma_start3A_489 = arith.constant 0 : i32
    %dma_start3A_490 = tpu.memref_slice %arg7[%dma_start3A_478, %dma_start3A_488, %dma_start3A_489] : memref<7x4x4096xf32, #tpu.memory_space<vmem>> -> memref<1x4x4096xf32, #tpu.memory_space<vmem>>
    %dma_start3A_491 = tpu.memref_squeeze %dma_start3A_490 : memref<1x4x4096xf32, #tpu.memory_space<vmem>> -> memref<4x4096xf32, #tpu.memory_space<vmem>>
    %dma_start3A_492 = arith.constant 0 : i32
    %dma_start3A_493 = tpu.memref_slice %arg3[%add3A_477, %dma_start3A_492] : memref<16384x4096xf32, #tpu.memory_space<hbm>> -> memref<4x4096xf32, #tpu.memory_space<hbm>>
    tpu.enqueue_dma source(%dma_start3A_493 : memref<4x4096xf32, #tpu.memory_space<hbm>>) target(%dma_start3A_491 : memref<4x4096xf32, #tpu.memory_space<vmem>>) target_semaphore(%dma_start3A_487 : memref<!tpu.dma_semaphore, #tpu.memory_space<semaphore_mem>>)
    %add3A_494 = arith.constant 24 : i32
    %add3A_495 = arith.addi %mul3A_2, %add3A_494 : i32
    %dma_wait3A_496 = arith.constant 6 : i32
    %dma_wait3A_497 = arith.constant 6 : i32
    %dma_wait3A_498 = arith.constant 0 : i32
    %dma_wait3A_499 = arith.constant 0 : i32
    %dma_wait3A_500 = tpu.memref_slice %arg7[%dma_wait3A_496, %dma_wait3A_498, %dma_wait3A_499] : memref<7x4x4096xf32, #tpu.memory_space<vmem>> -> memref<1x4x4096xf32, #tpu.memory_space<vmem>>
    %dma_wait3A_501 = tpu.memref_squeeze %dma_wait3A_500 : memref<1x4x4096xf32, #tpu.memory_space<vmem>> -> memref<4x4096xf32, #tpu.memory_space<vmem>>
    %dma_wait3A_502 = arith.constant 0 : i32
    %dma_wait3A_503 = tpu.memref_slice %arg3[%add3A_495, %dma_wait3A_502] : memref<16384x4096xf32, #tpu.memory_space<hbm>> -> memref<4x4096xf32, #tpu.memory_space<hbm>>
    %dma_wait3A_504 = tpu.memref_slice %arg8[%dma_wait3A_497] : memref<7x!tpu.dma_semaphore, #tpu.memory_space<semaphore_mem>> -> memref<1x!tpu.dma_semaphore, #tpu.memory_space<semaphore_mem>>
    %dma_wait3A_505 = tpu.memref_squeeze %dma_wait3A_504 : memref<1x!tpu.dma_semaphore, #tpu.memory_space<semaphore_mem>> -> memref<!tpu.dma_semaphore, #tpu.memory_space<semaphore_mem>>
    %dma_wait3A_506 = arith.constant 0 : i32
    %dma_wait3A_507 = arith.constant 0 : i32
    %dma_wait3A_508 = tpu.memref_slice %arg7[%dma_wait3A_496, %dma_wait3A_506, %dma_wait3A_507] : memref<7x4x4096xf32, #tpu.memory_space<vmem>> -> memref<1x4x4096xf32, #tpu.memory_space<vmem>>
    %dma_wait3A_509 = tpu.memref_squeeze %dma_wait3A_508 : memref<1x4x4096xf32, #tpu.memory_space<vmem>> -> memref<4x4096xf32, #tpu.memory_space<vmem>>
    %dma_wait3A_510 = arith.constant 0 : i32
    %dma_wait3A_511 = tpu.memref_slice %arg3[%add3A_495, %dma_wait3A_510] : memref<16384x4096xf32, #tpu.memory_space<hbm>> -> memref<4x4096xf32, #tpu.memory_space<hbm>>
    tpu.wait_dma2 semaphore(%dma_wait3A_505 : memref<!tpu.dma_semaphore, #tpu.memory_space<semaphore_mem>>) src(%dma_wait3A_511 : memref<4x4096xf32, #tpu.memory_space<hbm>>) dst(%dma_wait3A_509 : memref<4x4096xf32, #tpu.memory_space<vmem>>)
    %add3A_512 = arith.constant 52 : i32
    %add3A_513 = arith.addi %mul3A_2, %add3A_512 : i32
    %dma_start3A_514 = arith.constant 6 : i32
    %dma_start3A_515 = arith.constant 6 : i32
    %dma_start3A_516 = arith.constant 0 : i32
    %dma_start3A_517 = arith.constant 0 : i32
    %dma_start3A_518 = tpu.memref_slice %arg7[%dma_start3A_514, %dma_start3A_516, %dma_start3A_517] : memref<7x4x4096xf32, #tpu.memory_space<vmem>> -> memref<1x4x4096xf32, #tpu.memory_space<vmem>>
    %dma_start3A_519 = tpu.memref_squeeze %dma_start3A_518 : memref<1x4x4096xf32, #tpu.memory_space<vmem>> -> memref<4x4096xf32, #tpu.memory_space<vmem>>
    %dma_start3A_520 = arith.constant 0 : i32
    %dma_start3A_521 = tpu.memref_slice %arg3[%add3A_513, %dma_start3A_520] : memref<16384x4096xf32, #tpu.memory_space<hbm>> -> memref<4x4096xf32, #tpu.memory_space<hbm>>
    %dma_start3A_522 = tpu.memref_slice %arg8[%dma_start3A_515] : memref<7x!tpu.dma_semaphore, #tpu.memory_space<semaphore_mem>> -> memref<1x!tpu.dma_semaphore, #tpu.memory_space<semaphore_mem>>
    %dma_start3A_523 = tpu.memref_squeeze %dma_start3A_522 : memref<1x!tpu.dma_semaphore, #tpu.memory_space<semaphore_mem>> -> memref<!tpu.dma_semaphore, #tpu.memory_space<semaphore_mem>>
    %dma_start3A_524 = arith.constant 0 : i32
    %dma_start3A_525 = arith.constant 0 : i32
    %dma_start3A_526 = tpu.memref_slice %arg7[%dma_start3A_514, %dma_start3A_524, %dma_start3A_525] : memref<7x4x4096xf32, #tpu.memory_space<vmem>> -> memref<1x4x4096xf32, #tpu.memory_space<vmem>>
    %dma_start3A_527 = tpu.memref_squeeze %dma_start3A_526 : memref<1x4x4096xf32, #tpu.memory_space<vmem>> -> memref<4x4096xf32, #tpu.memory_space<vmem>>
    %dma_start3A_528 = arith.constant 0 : i32
    %dma_start3A_529 = tpu.memref_slice %arg3[%add3A_513, %dma_start3A_528] : memref<16384x4096xf32, #tpu.memory_space<hbm>> -> memref<4x4096xf32, #tpu.memory_space<hbm>>
    tpu.enqueue_dma source(%dma_start3A_529 : memref<4x4096xf32, #tpu.memory_space<hbm>>) target(%dma_start3A_527 : memref<4x4096xf32, #tpu.memory_space<vmem>>) target_semaphore(%dma_start3A_523 : memref<!tpu.dma_semaphore, #tpu.memory_space<semaphore_mem>>)
    %add3A_530 = arith.constant 28 : i32
    %add3A_531 = arith.addi %mul3A_2, %add3A_530 : i32
    %dma_wait3A_532 = arith.constant 0 : i32
    %dma_wait3A_533 = arith.constant 0 : i32
    %dma_wait3A_534 = arith.constant 0 : i32
    %dma_wait3A_535 = arith.constant 0 : i32
    %dma_wait3A_536 = tpu.memref_slice %arg7[%dma_wait3A_532, %dma_wait3A_534, %dma_wait3A_535] : memref<7x4x4096xf32, #tpu.memory_space<vmem>> -> memref<1x4x4096xf32, #tpu.memory_space<vmem>>
    %dma_wait3A_537 = tpu.memref_squeeze %dma_wait3A_536 : memref<1x4x4096xf32, #tpu.memory_space<vmem>> -> memref<4x4096xf32, #tpu.memory_space<vmem>>
    %dma_wait3A_538 = arith.constant 0 : i32
    %dma_wait3A_539 = tpu.memref_slice %arg3[%add3A_531, %dma_wait3A_538] : memref<16384x4096xf32, #tpu.memory_space<hbm>> -> memref<4x4096xf32, #tpu.memory_space<hbm>>
    %dma_wait3A_540 = tpu.memref_slice %arg8[%dma_wait3A_533] : memref<7x!tpu.dma_semaphore, #tpu.memory_space<semaphore_mem>> -> memref<1x!tpu.dma_semaphore, #tpu.memory_space<semaphore_mem>>
    %dma_wait3A_541 = tpu.memref_squeeze %dma_wait3A_540 : memref<1x!tpu.dma_semaphore, #tpu.memory_space<semaphore_mem>> -> memref<!tpu.dma_semaphore, #tpu.memory_space<semaphore_mem>>
    %dma_wait3A_542 = arith.constant 0 : i32
    %dma_wait3A_543 = arith.constant 0 : i32
    %dma_wait3A_544 = tpu.memref_slice %arg7[%dma_wait3A_532, %dma_wait3A_542, %dma_wait3A_543] : memref<7x4x4096xf32, #tpu.memory_space<vmem>> -> memref<1x4x4096xf32, #tpu.memory_space<vmem>>
    %dma_wait3A_545 = tpu.memref_squeeze %dma_wait3A_544 : memref<1x4x4096xf32, #tpu.memory_space<vmem>> -> memref<4x4096xf32, #tpu.memory_space<vmem>>
    %dma_wait3A_546 = arith.constant 0 : i32
    %dma_wait3A_547 = tpu.memref_slice %arg3[%add3A_531, %dma_wait3A_546] : memref<16384x4096xf32, #tpu.memory_space<hbm>> -> memref<4x4096xf32, #tpu.memory_space<hbm>>
    tpu.wait_dma2 semaphore(%dma_wait3A_541 : memref<!tpu.dma_semaphore, #tpu.memory_space<semaphore_mem>>) src(%dma_wait3A_547 : memref<4x4096xf32, #tpu.memory_space<hbm>>) dst(%dma_wait3A_545 : memref<4x4096xf32, #tpu.memory_space<vmem>>)
    %add3A_548 = arith.constant 56 : i32
    %add3A_549 = arith.addi %mul3A_2, %add3A_548 : i32
    %dma_start3A_550 = arith.constant 0 : i32
    %dma_start3A_551 = arith.constant 0 : i32
    %dma_start3A_552 = arith.constant 0 : i32
    %dma_start3A_553 = arith.constant 0 : i32
    %dma_start3A_554 = tpu.memref_slice %arg7[%dma_start3A_550, %dma_start3A_552, %dma_start3A_553] : memref<7x4x4096xf32, #tpu.memory_space<vmem>> -> memref<1x4x4096xf32, #tpu.memory_space<vmem>>
    %dma_start3A_555 = tpu.memref_squeeze %dma_start3A_554 : memref<1x4x4096xf32, #tpu.memory_space<vmem>> -> memref<4x4096xf32, #tpu.memory_space<vmem>>
    %dma_start3A_556 = arith.constant 0 : i32
    %dma_start3A_557 = tpu.memref_slice %arg3[%add3A_549, %dma_start3A_556] : memref<16384x4096xf32, #tpu.memory_space<hbm>> -> memref<4x4096xf32, #tpu.memory_space<hbm>>
    %dma_start3A_558 = tpu.memref_slice %arg8[%dma_start3A_551] : memref<7x!tpu.dma_semaphore, #tpu.memory_space<semaphore_mem>> -> memref<1x!tpu.dma_semaphore, #tpu.memory_space<semaphore_mem>>
    %dma_start3A_559 = tpu.memref_squeeze %dma_start3A_558 : memref<1x!tpu.dma_semaphore, #tpu.memory_space<semaphore_mem>> -> memref<!tpu.dma_semaphore, #tpu.memory_space<semaphore_mem>>
    %dma_start3A_560 = arith.constant 0 : i32
    %dma_start3A_561 = arith.constant 0 : i32
    %dma_start3A_562 = tpu.memref_slice %arg7[%dma_start3A_550, %dma_start3A_560, %dma_start3A_561] : memref<7x4x4096xf32, #tpu.memory_space<vmem>> -> memref<1x4x4096xf32, #tpu.memory_space<vmem>>
    %dma_start3A_563 = tpu.memref_squeeze %dma_start3A_562 : memref<1x4x4096xf32, #tpu.memory_space<vmem>> -> memref<4x4096xf32, #tpu.memory_space<vmem>>
    %dma_start3A_564 = arith.constant 0 : i32
    %dma_start3A_565 = tpu.memref_slice %arg3[%add3A_549, %dma_start3A_564] : memref<16384x4096xf32, #tpu.memory_space<hbm>> -> memref<4x4096xf32, #tpu.memory_space<hbm>>
    tpu.enqueue_dma source(%dma_start3A_565 : memref<4x4096xf32, #tpu.memory_space<hbm>>) target(%dma_start3A_563 : memref<4x4096xf32, #tpu.memory_space<vmem>>) target_semaphore(%dma_start3A_559 : memref<!tpu.dma_semaphore, #tpu.memory_space<semaphore_mem>>)
    %add3A_566 = arith.constant 32 : i32
    %add3A_567 = arith.addi %mul3A_2, %add3A_566 : i32
    %dma_wait3A_568 = arith.constant 1 : i32
    %dma_wait3A_569 = arith.constant 1 : i32
    %dma_wait3A_570 = arith.constant 0 : i32
    %dma_wait3A_571 = arith.constant 0 : i32
    %dma_wait3A_572 = tpu.memref_slice %arg7[%dma_wait3A_568, %dma_wait3A_570, %dma_wait3A_571] : memref<7x4x4096xf32, #tpu.memory_space<vmem>> -> memref<1x4x4096xf32, #tpu.memory_space<vmem>>
    %dma_wait3A_573 = tpu.memref_squeeze %dma_wait3A_572 : memref<1x4x4096xf32, #tpu.memory_space<vmem>> -> memref<4x4096xf32, #tpu.memory_space<vmem>>
    %dma_wait3A_574 = arith.constant 0 : i32
    %dma_wait3A_575 = tpu.memref_slice %arg3[%add3A_567, %dma_wait3A_574] : memref<16384x4096xf32, #tpu.memory_space<hbm>> -> memref<4x4096xf32, #tpu.memory_space<hbm>>
    %dma_wait3A_576 = tpu.memref_slice %arg8[%dma_wait3A_569] : memref<7x!tpu.dma_semaphore, #tpu.memory_space<semaphore_mem>> -> memref<1x!tpu.dma_semaphore, #tpu.memory_space<semaphore_mem>>
    %dma_wait3A_577 = tpu.memref_squeeze %dma_wait3A_576 : memref<1x!tpu.dma_semaphore, #tpu.memory_space<semaphore_mem>> -> memref<!tpu.dma_semaphore, #tpu.memory_space<semaphore_mem>>
    %dma_wait3A_578 = arith.constant 0 : i32
    %dma_wait3A_579 = arith.constant 0 : i32
    %dma_wait3A_580 = tpu.memref_slice %arg7[%dma_wait3A_568, %dma_wait3A_578, %dma_wait3A_579] : memref<7x4x4096xf32, #tpu.memory_space<vmem>> -> memref<1x4x4096xf32, #tpu.memory_space<vmem>>
    %dma_wait3A_581 = tpu.memref_squeeze %dma_wait3A_580 : memref<1x4x4096xf32, #tpu.memory_space<vmem>> -> memref<4x4096xf32, #tpu.memory_space<vmem>>
    %dma_wait3A_582 = arith.constant 0 : i32
    %dma_wait3A_583 = tpu.memref_slice %arg3[%add3A_567, %dma_wait3A_582] : memref<16384x4096xf32, #tpu.memory_space<hbm>> -> memref<4x4096xf32, #tpu.memory_space<hbm>>
    tpu.wait_dma2 semaphore(%dma_wait3A_577 : memref<!tpu.dma_semaphore, #tpu.memory_space<semaphore_mem>>) src(%dma_wait3A_583 : memref<4x4096xf32, #tpu.memory_space<hbm>>) dst(%dma_wait3A_581 : memref<4x4096xf32, #tpu.memory_space<vmem>>)
    %add3A_584 = arith.constant 60 : i32
    %add3A_585 = arith.addi %mul3A_2, %add3A_584 : i32
    %dma_start3A_586 = arith.constant 1 : i32
    %dma_start3A_587 = arith.constant 1 : i32
    %dma_start3A_588 = arith.constant 0 : i32
    %dma_start3A_589 = arith.constant 0 : i32
    %dma_start3A_590 = tpu.memref_slice %arg7[%dma_start3A_586, %dma_start3A_588, %dma_start3A_589] : memref<7x4x4096xf32, #tpu.memory_space<vmem>> -> memref<1x4x4096xf32, #tpu.memory_space<vmem>>
    %dma_start3A_591 = tpu.memref_squeeze %dma_start3A_590 : memref<1x4x4096xf32, #tpu.memory_space<vmem>> -> memref<4x4096xf32, #tpu.memory_space<vmem>>
    %dma_start3A_592 = arith.constant 0 : i32
    %dma_start3A_593 = tpu.memref_slice %arg3[%add3A_585, %dma_start3A_592] : memref<16384x4096xf32, #tpu.memory_space<hbm>> -> memref<4x4096xf32, #tpu.memory_space<hbm>>
    %dma_start3A_594 = tpu.memref_slice %arg8[%dma_start3A_587] : memref<7x!tpu.dma_semaphore, #tpu.memory_space<semaphore_mem>> -> memref<1x!tpu.dma_semaphore, #tpu.memory_space<semaphore_mem>>
    %dma_start3A_595 = tpu.memref_squeeze %dma_start3A_594 : memref<1x!tpu.dma_semaphore, #tpu.memory_space<semaphore_mem>> -> memref<!tpu.dma_semaphore, #tpu.memory_space<semaphore_mem>>
    %dma_start3A_596 = arith.constant 0 : i32
    %dma_start3A_597 = arith.constant 0 : i32
    %dma_start3A_598 = tpu.memref_slice %arg7[%dma_start3A_586, %dma_start3A_596, %dma_start3A_597] : memref<7x4x4096xf32, #tpu.memory_space<vmem>> -> memref<1x4x4096xf32, #tpu.memory_space<vmem>>
    %dma_start3A_599 = tpu.memref_squeeze %dma_start3A_598 : memref<1x4x4096xf32, #tpu.memory_space<vmem>> -> memref<4x4096xf32, #tpu.memory_space<vmem>>
    %dma_start3A_600 = arith.constant 0 : i32
    %dma_start3A_601 = tpu.memref_slice %arg3[%add3A_585, %dma_start3A_600] : memref<16384x4096xf32, #tpu.memory_space<hbm>> -> memref<4x4096xf32, #tpu.memory_space<hbm>>
    tpu.enqueue_dma source(%dma_start3A_601 : memref<4x4096xf32, #tpu.memory_space<hbm>>) target(%dma_start3A_599 : memref<4x4096xf32, #tpu.memory_space<vmem>>) target_semaphore(%dma_start3A_595 : memref<!tpu.dma_semaphore, #tpu.memory_space<semaphore_mem>>)
    %add3A_602 = arith.constant 36 : i32
    %add3A_603 = arith.addi %mul3A_2, %add3A_602 : i32
    %dma_wait3A_604 = arith.constant 2 : i32
    %dma_wait3A_605 = arith.constant 2 : i32
    %dma_wait3A_606 = arith.constant 0 : i32
    %dma_wait3A_607 = arith.constant 0 : i32
    %dma_wait3A_608 = tpu.memref_slice %arg7[%dma_wait3A_604, %dma_wait3A_606, %dma_wait3A_607] : memref<7x4x4096xf32, #tpu.memory_space<vmem>> -> memref<1x4x4096xf32, #tpu.memory_space<vmem>>
    %dma_wait3A_609 = tpu.memref_squeeze %dma_wait3A_608 : memref<1x4x4096xf32, #tpu.memory_space<vmem>> -> memref<4x4096xf32, #tpu.memory_space<vmem>>
    %dma_wait3A_610 = arith.constant 0 : i32
    %dma_wait3A_611 = tpu.memref_slice %arg3[%add3A_603, %dma_wait3A_610] : memref<16384x4096xf32, #tpu.memory_space<hbm>> -> memref<4x4096xf32, #tpu.memory_space<hbm>>
    %dma_wait3A_612 = tpu.memref_slice %arg8[%dma_wait3A_605] : memref<7x!tpu.dma_semaphore, #tpu.memory_space<semaphore_mem>> -> memref<1x!tpu.dma_semaphore, #tpu.memory_space<semaphore_mem>>
    %dma_wait3A_613 = tpu.memref_squeeze %dma_wait3A_612 : memref<1x!tpu.dma_semaphore, #tpu.memory_space<semaphore_mem>> -> memref<!tpu.dma_semaphore, #tpu.memory_space<semaphore_mem>>
    %dma_wait3A_614 = arith.constant 0 : i32
    %dma_wait3A_615 = arith.constant 0 : i32
    %dma_wait3A_616 = tpu.memref_slice %arg7[%dma_wait3A_604, %dma_wait3A_614, %dma_wait3A_615] : memref<7x4x4096xf32, #tpu.memory_space<vmem>> -> memref<1x4x4096xf32, #tpu.memory_space<vmem>>
    %dma_wait3A_617 = tpu.memref_squeeze %dma_wait3A_616 : memref<1x4x4096xf32, #tpu.memory_space<vmem>> -> memref<4x4096xf32, #tpu.memory_space<vmem>>
    %dma_wait3A_618 = arith.constant 0 : i32
    %dma_wait3A_619 = tpu.memref_slice %arg3[%add3A_603, %dma_wait3A_618] : memref<16384x4096xf32, #tpu.memory_space<hbm>> -> memref<4x4096xf32, #tpu.memory_space<hbm>>
    tpu.wait_dma2 semaphore(%dma_wait3A_613 : memref<!tpu.dma_semaphore, #tpu.memory_space<semaphore_mem>>) src(%dma_wait3A_619 : memref<4x4096xf32, #tpu.memory_space<hbm>>) dst(%dma_wait3A_617 : memref<4x4096xf32, #tpu.memory_space<vmem>>)
    %add3A_620 = arith.constant 40 : i32
    %add3A_621 = arith.addi %mul3A_2, %add3A_620 : i32
    %dma_wait3A_622 = arith.constant 3 : i32
    %dma_wait3A_623 = arith.constant 3 : i32
    %dma_wait3A_624 = arith.constant 0 : i32
    %dma_wait3A_625 = arith.constant 0 : i32
    %dma_wait3A_626 = tpu.memref_slice %arg7[%dma_wait3A_622, %dma_wait3A_624, %dma_wait3A_625] : memref<7x4x4096xf32, #tpu.memory_space<vmem>> -> memref<1x4x4096xf32, #tpu.memory_space<vmem>>
    %dma_wait3A_627 = tpu.memref_squeeze %dma_wait3A_626 : memref<1x4x4096xf32, #tpu.memory_space<vmem>> -> memref<4x4096xf32, #tpu.memory_space<vmem>>
    %dma_wait3A_628 = arith.constant 0 : i32
    %dma_wait3A_629 = tpu.memref_slice %arg3[%add3A_621, %dma_wait3A_628] : memref<16384x4096xf32, #tpu.memory_space<hbm>> -> memref<4x4096xf32, #tpu.memory_space<hbm>>
    %dma_wait3A_630 = tpu.memref_slice %arg8[%dma_wait3A_623] : memref<7x!tpu.dma_semaphore, #tpu.memory_space<semaphore_mem>> -> memref<1x!tpu.dma_semaphore, #tpu.memory_space<semaphore_mem>>
    %dma_wait3A_631 = tpu.memref_squeeze %dma_wait3A_630 : memref<1x!tpu.dma_semaphore, #tpu.memory_space<semaphore_mem>> -> memref<!tpu.dma_semaphore, #tpu.memory_space<semaphore_mem>>
    %dma_wait3A_632 = arith.constant 0 : i32
    %dma_wait3A_633 = arith.constant 0 : i32
    %dma_wait3A_634 = tpu.memref_slice %arg7[%dma_wait3A_622, %dma_wait3A_632, %dma_wait3A_633] : memref<7x4x4096xf32, #tpu.memory_space<vmem>> -> memref<1x4x4096xf32, #tpu.memory_space<vmem>>
    %dma_wait3A_635 = tpu.memref_squeeze %dma_wait3A_634 : memref<1x4x4096xf32, #tpu.memory_space<vmem>> -> memref<4x4096xf32, #tpu.memory_space<vmem>>
    %dma_wait3A_636 = arith.constant 0 : i32
    %dma_wait3A_637 = tpu.memref_slice %arg3[%add3A_621, %dma_wait3A_636] : memref<16384x4096xf32, #tpu.memory_space<hbm>> -> memref<4x4096xf32, #tpu.memory_space<hbm>>
    tpu.wait_dma2 semaphore(%dma_wait3A_631 : memref<!tpu.dma_semaphore, #tpu.memory_space<semaphore_mem>>) src(%dma_wait3A_637 : memref<4x4096xf32, #tpu.memory_space<hbm>>) dst(%dma_wait3A_635 : memref<4x4096xf32, #tpu.memory_space<vmem>>)
    %add3A_638 = arith.constant 44 : i32
    %add3A_639 = arith.addi %mul3A_2, %add3A_638 : i32
    %dma_wait3A_640 = arith.constant 4 : i32
    %dma_wait3A_641 = arith.constant 4 : i32
    %dma_wait3A_642 = arith.constant 0 : i32
    %dma_wait3A_643 = arith.constant 0 : i32
    %dma_wait3A_644 = tpu.memref_slice %arg7[%dma_wait3A_640, %dma_wait3A_642, %dma_wait3A_643] : memref<7x4x4096xf32, #tpu.memory_space<vmem>> -> memref<1x4x4096xf32, #tpu.memory_space<vmem>>
    %dma_wait3A_645 = tpu.memref_squeeze %dma_wait3A_644 : memref<1x4x4096xf32, #tpu.memory_space<vmem>> -> memref<4x4096xf32, #tpu.memory_space<vmem>>
    %dma_wait3A_646 = arith.constant 0 : i32
    %dma_wait3A_647 = tpu.memref_slice %arg3[%add3A_639, %dma_wait3A_646] : memref<16384x4096xf32, #tpu.memory_space<hbm>> -> memref<4x4096xf32, #tpu.memory_space<hbm>>
    %dma_wait3A_648 = tpu.memref_slice %arg8[%dma_wait3A_641] : memref<7x!tpu.dma_semaphore, #tpu.memory_space<semaphore_mem>> -> memref<1x!tpu.dma_semaphore, #tpu.memory_space<semaphore_mem>>
    %dma_wait3A_649 = tpu.memref_squeeze %dma_wait3A_648 : memref<1x!tpu.dma_semaphore, #tpu.memory_space<semaphore_mem>> -> memref<!tpu.dma_semaphore, #tpu.memory_space<semaphore_mem>>
    %dma_wait3A_650 = arith.constant 0 : i32
    %dma_wait3A_651 = arith.constant 0 : i32
    %dma_wait3A_652 = tpu.memref_slice %arg7[%dma_wait3A_640, %dma_wait3A_650, %dma_wait3A_651] : memref<7x4x4096xf32, #tpu.memory_space<vmem>> -> memref<1x4x4096xf32, #tpu.memory_space<vmem>>
    %dma_wait3A_653 = tpu.memref_squeeze %dma_wait3A_652 : memref<1x4x4096xf32, #tpu.memory_space<vmem>> -> memref<4x4096xf32, #tpu.memory_space<vmem>>
    %dma_wait3A_654 = arith.constant 0 : i32
    %dma_wait3A_655 = tpu.memref_slice %arg3[%add3A_639, %dma_wait3A_654] : memref<16384x4096xf32, #tpu.memory_space<hbm>> -> memref<4x4096xf32, #tpu.memory_space<hbm>>
    tpu.wait_dma2 semaphore(%dma_wait3A_649 : memref<!tpu.dma_semaphore, #tpu.memory_space<semaphore_mem>>) src(%dma_wait3A_655 : memref<4x4096xf32, #tpu.memory_space<hbm>>) dst(%dma_wait3A_653 : memref<4x4096xf32, #tpu.memory_space<vmem>>)
    %add3A_656 = arith.constant 48 : i32
    %add3A_657 = arith.addi %mul3A_2, %add3A_656 : i32
    %dma_wait3A_658 = arith.constant 5 : i32
    %dma_wait3A_659 = arith.constant 5 : i32
    %dma_wait3A_660 = arith.constant 0 : i32
    %dma_wait3A_661 = arith.constant 0 : i32
    %dma_wait3A_662 = tpu.memref_slice %arg7[%dma_wait3A_658, %dma_wait3A_660, %dma_wait3A_661] : memref<7x4x4096xf32, #tpu.memory_space<vmem>> -> memref<1x4x4096xf32, #tpu.memory_space<vmem>>
    %dma_wait3A_663 = tpu.memref_squeeze %dma_wait3A_662 : memref<1x4x4096xf32, #tpu.memory_space<vmem>> -> memref<4x4096xf32, #tpu.memory_space<vmem>>
    %dma_wait3A_664 = arith.constant 0 : i32
    %dma_wait3A_665 = tpu.memref_slice %arg3[%add3A_657, %dma_wait3A_664] : memref<16384x4096xf32, #tpu.memory_space<hbm>> -> memref<4x4096xf32, #tpu.memory_space<hbm>>
    %dma_wait3A_666 = tpu.memref_slice %arg8[%dma_wait3A_659] : memref<7x!tpu.dma_semaphore, #tpu.memory_space<semaphore_mem>> -> memref<1x!tpu.dma_semaphore, #tpu.memory_space<semaphore_mem>>
    %dma_wait3A_667 = tpu.memref_squeeze %dma_wait3A_666 : memref<1x!tpu.dma_semaphore, #tpu.memory_space<semaphore_mem>> -> memref<!tpu.dma_semaphore, #tpu.memory_space<semaphore_mem>>
    %dma_wait3A_668 = arith.constant 0 : i32
    %dma_wait3A_669 = arith.constant 0 : i32
    %dma_wait3A_670 = tpu.memref_slice %arg7[%dma_wait3A_658, %dma_wait3A_668, %dma_wait3A_669] : memref<7x4x4096xf32, #tpu.memory_space<vmem>> -> memref<1x4x4096xf32, #tpu.memory_space<vmem>>
    %dma_wait3A_671 = tpu.memref_squeeze %dma_wait3A_670 : memref<1x4x4096xf32, #tpu.memory_space<vmem>> -> memref<4x4096xf32, #tpu.memory_space<vmem>>
    %dma_wait3A_672 = arith.constant 0 : i32
    %dma_wait3A_673 = tpu.memref_slice %arg3[%add3A_657, %dma_wait3A_672] : memref<16384x4096xf32, #tpu.memory_space<hbm>> -> memref<4x4096xf32, #tpu.memory_space<hbm>>
    tpu.wait_dma2 semaphore(%dma_wait3A_667 : memref<!tpu.dma_semaphore, #tpu.memory_space<semaphore_mem>>) src(%dma_wait3A_673 : memref<4x4096xf32, #tpu.memory_space<hbm>>) dst(%dma_wait3A_671 : memref<4x4096xf32, #tpu.memory_space<vmem>>)
    %add3A_674 = arith.constant 52 : i32
    %add3A_675 = arith.addi %mul3A_2, %add3A_674 : i32
    %dma_wait3A_676 = arith.constant 6 : i32
    %dma_wait3A_677 = arith.constant 6 : i32
    %dma_wait3A_678 = arith.constant 0 : i32
    %dma_wait3A_679 = arith.constant 0 : i32
    %dma_wait3A_680 = tpu.memref_slice %arg7[%dma_wait3A_676, %dma_wait3A_678, %dma_wait3A_679] : memref<7x4x4096xf32, #tpu.memory_space<vmem>> -> memref<1x4x4096xf32, #tpu.memory_space<vmem>>
    %dma_wait3A_681 = tpu.memref_squeeze %dma_wait3A_680 : memref<1x4x4096xf32, #tpu.memory_space<vmem>> -> memref<4x4096xf32, #tpu.memory_space<vmem>>
    %dma_wait3A_682 = arith.constant 0 : i32
    %dma_wait3A_683 = tpu.memref_slice %arg3[%add3A_675, %dma_wait3A_682] : memref<16384x4096xf32, #tpu.memory_space<hbm>> -> memref<4x4096xf32, #tpu.memory_space<hbm>>
    %dma_wait3A_684 = tpu.memref_slice %arg8[%dma_wait3A_677] : memref<7x!tpu.dma_semaphore, #tpu.memory_space<semaphore_mem>> -> memref<1x!tpu.dma_semaphore, #tpu.memory_space<semaphore_mem>>
    %dma_wait3A_685 = tpu.memref_squeeze %dma_wait3A_684 : memref<1x!tpu.dma_semaphore, #tpu.memory_space<semaphore_mem>> -> memref<!tpu.dma_semaphore, #tpu.memory_space<semaphore_mem>>
    %dma_wait3A_686 = arith.constant 0 : i32
    %dma_wait3A_687 = arith.constant 0 : i32
    %dma_wait3A_688 = tpu.memref_slice %arg7[%dma_wait3A_676, %dma_wait3A_686, %dma_wait3A_687] : memref<7x4x4096xf32, #tpu.memory_space<vmem>> -> memref<1x4x4096xf32, #tpu.memory_space<vmem>>
    %dma_wait3A_689 = tpu.memref_squeeze %dma_wait3A_688 : memref<1x4x4096xf32, #tpu.memory_space<vmem>> -> memref<4x4096xf32, #tpu.memory_space<vmem>>
    %dma_wait3A_690 = arith.constant 0 : i32
    %dma_wait3A_691 = tpu.memref_slice %arg3[%add3A_675, %dma_wait3A_690] : memref<16384x4096xf32, #tpu.memory_space<hbm>> -> memref<4x4096xf32, #tpu.memory_space<hbm>>
    tpu.wait_dma2 semaphore(%dma_wait3A_685 : memref<!tpu.dma_semaphore, #tpu.memory_space<semaphore_mem>>) src(%dma_wait3A_691 : memref<4x4096xf32, #tpu.memory_space<hbm>>) dst(%dma_wait3A_689 : memref<4x4096xf32, #tpu.memory_space<vmem>>)
    %add3A_692 = arith.constant 56 : i32
    %add3A_693 = arith.addi %mul3A_2, %add3A_692 : i32
    %dma_wait3A_694 = arith.constant 0 : i32
    %dma_wait3A_695 = arith.constant 0 : i32
    %dma_wait3A_696 = arith.constant 0 : i32
    %dma_wait3A_697 = arith.constant 0 : i32
    %dma_wait3A_698 = tpu.memref_slice %arg7[%dma_wait3A_694, %dma_wait3A_696, %dma_wait3A_697] : memref<7x4x4096xf32, #tpu.memory_space<vmem>> -> memref<1x4x4096xf32, #tpu.memory_space<vmem>>
    %dma_wait3A_699 = tpu.memref_squeeze %dma_wait3A_698 : memref<1x4x4096xf32, #tpu.memory_space<vmem>> -> memref<4x4096xf32, #tpu.memory_space<vmem>>
    %dma_wait3A_700 = arith.constant 0 : i32
    %dma_wait3A_701 = tpu.memref_slice %arg3[%add3A_693, %dma_wait3A_700] : memref<16384x4096xf32, #tpu.memory_space<hbm>> -> memref<4x4096xf32, #tpu.memory_space<hbm>>
    %dma_wait3A_702 = tpu.memref_slice %arg8[%dma_wait3A_695] : memref<7x!tpu.dma_semaphore, #tpu.memory_space<semaphore_mem>> -> memref<1x!tpu.dma_semaphore, #tpu.memory_space<semaphore_mem>>
    %dma_wait3A_703 = tpu.memref_squeeze %dma_wait3A_702 : memref<1x!tpu.dma_semaphore, #tpu.memory_space<semaphore_mem>> -> memref<!tpu.dma_semaphore, #tpu.memory_space<semaphore_mem>>
    %dma_wait3A_704 = arith.constant 0 : i32
    %dma_wait3A_705 = arith.constant 0 : i32
    %dma_wait3A_706 = tpu.memref_slice %arg7[%dma_wait3A_694, %dma_wait3A_704, %dma_wait3A_705] : memref<7x4x4096xf32, #tpu.memory_space<vmem>> -> memref<1x4x4096xf32, #tpu.memory_space<vmem>>
    %dma_wait3A_707 = tpu.memref_squeeze %dma_wait3A_706 : memref<1x4x4096xf32, #tpu.memory_space<vmem>> -> memref<4x4096xf32, #tpu.memory_space<vmem>>
    %dma_wait3A_708 = arith.constant 0 : i32
    %dma_wait3A_709 = tpu.memref_slice %arg3[%add3A_693, %dma_wait3A_708] : memref<16384x4096xf32, #tpu.memory_space<hbm>> -> memref<4x4096xf32, #tpu.memory_space<hbm>>
    tpu.wait_dma2 semaphore(%dma_wait3A_703 : memref<!tpu.dma_semaphore, #tpu.memory_space<semaphore_mem>>) src(%dma_wait3A_709 : memref<4x4096xf32, #tpu.memory_space<hbm>>) dst(%dma_wait3A_707 : memref<4x4096xf32, #tpu.memory_space<vmem>>)
    %add3A_710 = arith.constant 60 : i32
    %add3A_711 = arith.addi %mul3A_2, %add3A_710 : i32
    %dma_wait3A_712 = arith.constant 1 : i32
    %dma_wait3A_713 = arith.constant 1 : i32
    %dma_wait3A_714 = arith.constant 0 : i32
    %dma_wait3A_715 = arith.constant 0 : i32
    %dma_wait3A_716 = tpu.memref_slice %arg7[%dma_wait3A_712, %dma_wait3A_714, %dma_wait3A_715] : memref<7x4x4096xf32, #tpu.memory_space<vmem>> -> memref<1x4x4096xf32, #tpu.memory_space<vmem>>
    %dma_wait3A_717 = tpu.memref_squeeze %dma_wait3A_716 : memref<1x4x4096xf32, #tpu.memory_space<vmem>> -> memref<4x4096xf32, #tpu.memory_space<vmem>>
    %dma_wait3A_718 = arith.constant 0 : i32
    %dma_wait3A_719 = tpu.memref_slice %arg3[%add3A_711, %dma_wait3A_718] : memref<16384x4096xf32, #tpu.memory_space<hbm>> -> memref<4x4096xf32, #tpu.memory_space<hbm>>
    %dma_wait3A_720 = tpu.memref_slice %arg8[%dma_wait3A_713] : memref<7x!tpu.dma_semaphore, #tpu.memory_space<semaphore_mem>> -> memref<1x!tpu.dma_semaphore, #tpu.memory_space<semaphore_mem>>
    %dma_wait3A_721 = tpu.memref_squeeze %dma_wait3A_720 : memref<1x!tpu.dma_semaphore, #tpu.memory_space<semaphore_mem>> -> memref<!tpu.dma_semaphore, #tpu.memory_space<semaphore_mem>>
    %dma_wait3A_722 = arith.constant 0 : i32
    %dma_wait3A_723 = arith.constant 0 : i32
    %dma_wait3A_724 = tpu.memref_slice %arg7[%dma_wait3A_712, %dma_wait3A_722, %dma_wait3A_723] : memref<7x4x4096xf32, #tpu.memory_space<vmem>> -> memref<1x4x4096xf32, #tpu.memory_space<vmem>>
    %dma_wait3A_725 = tpu.memref_squeeze %dma_wait3A_724 : memref<1x4x4096xf32, #tpu.memory_space<vmem>> -> memref<4x4096xf32, #tpu.memory_space<vmem>>
    %dma_wait3A_726 = arith.constant 0 : i32
    %dma_wait3A_727 = tpu.memref_slice %arg3[%add3A_711, %dma_wait3A_726] : memref<16384x4096xf32, #tpu.memory_space<hbm>> -> memref<4x4096xf32, #tpu.memory_space<hbm>>
    tpu.wait_dma2 semaphore(%dma_wait3A_721 : memref<!tpu.dma_semaphore, #tpu.memory_space<semaphore_mem>>) src(%dma_wait3A_727 : memref<4x4096xf32, #tpu.memory_space<hbm>>) dst(%dma_wait3A_725 : memref<4x4096xf32, #tpu.memory_space<vmem>>)
    return
  }
}

</mosaic_0001>

<sc_bundles>
// kernel: kernel.3.cloned.1.call-start
scs
__scs_entry_jumppad:
0x0: {  	(pc) =	sbr.rel $0x88, $3  }
0x1: {  	(tag) =	ssettag $0x0;
	lr =	simm.s32 $0x1  }
0x2: {  	[smem:$0x3F9F] =	sst lr;
	_ =	strace $0xD0000000  }
0x3: {  	_ = 	snop  }
0x4: {  	_ = 	snop  }
0x5: {  	_ = 	snop  }
0x6: {  	_ = 	snop  }
0x7: {  	_ = 	snop  }
__scs_overlays_trampoline_lowered:
0x8: {  	[smem:$0x3FAE] =	sst s0  }
0x9: {  	[smem:$0x3FAF] =	sst s1  }
0xa: {  	[smem:$0x3FB0] =	sst s2  }
0xb: {  	[smem:$0x3FB1] =	sst s3  }
0xc: {  	[smem:$0x3FB2] =	sst s4  }
0xd: {  	[smem:$0x3FB3] =	sst s5  }
0xe: {  	[smem:$0x3FB4] =	sst s6  }
0xf: {  	[smem:$0x3FB5] =	sst s7  }
0x10: {  	[smem:$0x3FB6] =	sst s8  }
0x11: {  	[smem:$0x3FB7] =	sst s9;
	s0 =	simm.s32 @!p0 $0x0  }
0x12: {  	s1 =	sld [smem:$0x3F9D];
	s0 =	simm.s32 @p0 $0x1  }
0x13: {  	[smem:$0x3FB8] =	sst s0;
	s0 =	simm.s32 @!p1 $0x0  }
0x14: {  	s2 =	sld [smem:$0x3F9C];
	s0 =	simm.s32 @p1 $0x1  }
0x15: {  	[smem:$0x3FB9] =	sst s0;
	s0 =	simm.s32 @!p2 $0x0  }
0x16: {  	s3 =	sld [smem:$0x3FDB];
	s0 =	simm.s32 @p2 $0x1  }
0x17: {  	s4 =	simm.s32 $0x1BF5;
	[smem:$0x3FBB] =	sst s0  }
0x18: {  	s0 =	sld [smem:$0x3F9E];
	_ =	swait.ge [sflag:s4], $0x0  }
0x19: {  	s7 =	sld [smem:$0x3F9F]  }
0x1a: {  	s8 =	sadd.s32 $0xFFFFE003, lr  }
0x1b: {  	s9 =	sadd.s32 $0xFFFFFEF7, lr;
	s5 =	simm.s32 $0xFFFFFFFF;
	p2 =	slt.u32 s8, $0xFFFFF086  }
0x1c: {  	p1 =	slt.u32 s9, $0xF7A;
	s5 =	simm.s32 @!p2 $0x0  }
0x1d: {  	s5 =	simm.s32 @p1 $0x1;
	p0 =	seq.s32 s7, s2  }
0x1e: {  	s7 =	smul.u32 @!p0 $0xF7A, s2;
	p2 =	seq.s32 @!p0 s5, $0x0  }
0x1f: {  	s9 =	smul.u32 $0xF7A, s1;
	s8 =	simm.s32 @!p0 $0x1BF5;
	p2 =	por !p2, p0  }
0x20: {  	[sflag:s8] =	ssyncset.s32 @!p0 $0xFFFFF086;
	s6 =	sadd.s32 @!p0 s3, s7;
	s7 =	simm.s32 @!p0 $0x108  }
0x21: {  	s3 =	sadd.s32 s3, s9;
	s6 =	sadd.s32 @!p0 $0x88, s6;
	s7 =	simm.s32 @p2 $0x1082  }
0x22: {  	[simem:s7], [sflag:s8] =	dma.local @!p0 [hbm:s6], $0xF7A  }
0x23: {  	s9 =	sor.u32 $0xD0000000, s2;
	s6 =	simm.s32 $0x108;
	_ =	swait.ge @!p0 [sflag:s8], $0x0  }
0x24: {  	s3 =	sadd.s32 $0x88, s3;
	s6 =	simm.s32 @!p1 $0x1082;
	[sflag:s4] =	ssyncset.s32 $0xFFFFF086  }
0x25: {  	[simem:s6], [sflag:s4] =	dma.local [hbm:s3], $0xF7A  }
0x26: {  	[smem:$0x3F9F] =	sst s1;
	(tag) =	ssettag s2;
	_ =	strace s9  }
0x27: {  	s1 =	sld [smem:$0x3FAF]  }
0x28: {  	s2 =	sld [smem:$0x3FB0]  }
0x29: {  	s4 =	sld [smem:$0x3FB2]  }
0x2a: {  	p0 =	seq.s32 s5, $0x0;
	s5 =	sld [smem:$0x3FB3]  }
0x2b: {  	s6 =	sld [smem:$0x3FB4]  }
0x2c: {  	s7 =	sld [smem:$0x3FB5]  }
0x2d: {  	s3 =	simm.s32 $0x108;
	s8 =	sld [smem:$0x3FB6]  }
0x2e: {  	s3 =	simm.s32 @!p0 $0x1082;
	s9 =	sld [smem:$0x3FB7]  }
0x2f: {  	lr =	sadd.s32 s0, s3;
	s0 =	sld [smem:$0x3FAE]  }
0x30: {  	s3 =	sld [smem:$0x3FB1]  }
0x31: {  	[smem:$0x3FBA] =	sst s10  }
0x32: {  	s10 =	sld [smem:$0x3FB8];
	_ =	sdelay $0x3  }
0x33: {  	p0 =	seq.s32 s10, $0x1;
	s10 =	sld [smem:$0x3FBA];
	_ =	sdelay $0x3  }
0x34: {  	[smem:$0x3FBA] =	sst s10  }
0x35: {  	s10 =	sld [smem:$0x3FB9];
	_ =	sdelay $0x3  }
0x36: {  	p1 =	seq.s32 s10, $0x1;
	s10 =	sld [smem:$0x3FBA];
	_ =	sdelay $0x3  }
0x37: {  	[smem:$0x3FBA] =	sst s10  }
0x38: {  	s10 =	sld [smem:$0x3FBB]  }
0x39: {  	_ = 	snop;
	(pc) =	sbr.ind lr, $3  }
0x3a: {  	_ = 	snop  }
0x3b: {  	_ = 	snop  }
0x3c: {  	p2 =	seq.s32 s10, $0x1;
	s10 =	sld [smem:$0x3FBA]  }
0x3d: {  	_ =	shalt  }
0x3e: {  	_ =	shalt  }
0x3f: {  	_ =	shalt  }
0x40: {  	_ =	shalt  }
0x41: {  	_ =	shalt  }
0x42: {  	_ =	shalt  }
0x43: {  	_ =	shalt  }
0x44: {  	_ =	shalt  }
0x45: {  	_ =	shalt  }
0x46: {  	_ =	shalt  }
0x47: {  	_ =	shalt  }
0x48: {  	_ =	shalt  }
0x49: {  	_ =	shalt  }
0x4a: {  	_ =	shalt  }
0x4b: {  	_ =	shalt  }
0x4c: {  	_ =	shalt  }
0x4d: {  	_ =	shalt  }
0x4e: {  	_ =	shalt  }
0x4f: {  	_ =	shalt  }
0x50: {  	_ =	shalt  }
0x51: {  	_ =	shalt  }
0x52: {  	_ =	shalt  }
0x53: {  	_ =	shalt  }
0x54: {  	_ =	shalt  }
0x55: {  	_ =	shalt  }
0x56: {  	_ =	shalt  }
0x57: {  	_ =	shalt  }
0x58: {  	_ =	shalt  }
0x59: {  	_ =	shalt  }
0x5a: {  	_ =	shalt  }
0x5b: {  	_ =	shalt  }
0x5c: {  	_ =	shalt  }
0x5d: {  	_ =	shalt  }
0x5e: {  	_ =	shalt  }
0x5f: {  	_ =	shalt  }
0x60: {  	_ =	shalt  }
0x61: {  	_ =	shalt  }
0x62: {  	_ =	shalt  }
0x63: {  	_ =	shalt  }
0x64: {  	_ =	shalt  }
0x65: {  	_ =	shalt  }
0x66: {  	_ =	shalt  }
0x67: {  	_ =	shalt  }
0x68: {  	_ =	shalt  }
0x69: {  	_ =	shalt  }
0x6a: {  	_ =	shalt  }
0x6b: {  	_ =	shalt  }
0x6c: {  	_ =	shalt  }
0x6d: {  	_ =	shalt  }
0x6e: {  	_ =	shalt  }
0x6f: {  	_ =	shalt  }
0x70: {  	_ =	shalt  }
0x71: {  	_ =	shalt  }
0x72: {  	_ =	shalt  }
0x73: {  	_ =	shalt  }
0x74: {  	_ =	shalt  }
0x75: {  	_ =	shalt  }
0x76: {  	_ =	shalt  }
0x77: {  	_ =	shalt  }
0x78: {  	_ =	shalt  }
0x79: {  	_ =	shalt  }
0x7a: {  	_ =	shalt  }
0x7b: {  	_ =	shalt  }
0x7c: {  	_ =	shalt  }
0x7d: {  	_ =	shalt  }
0x7e: {  	_ =	shalt  }
0x7f: {  	_ =	shalt  }
0x80: {  	_ =	shalt  }
0x81: {  	_ =	shalt  }
0x82: {  	_ =	shalt  }
0x83: {  	_ =	shalt  }
0x84: {  	_ =	shalt  }
0x85: {  	_ =	shalt  }
0x86: {  	_ =	shalt  }
0x87: {  	_ =	shalt  }
.Lfunc_end0:
.L_simem_size_0:
called_computation_lowered:
.L_overlay_start_0:
0x88: {  	s2 =	sld [smem:$0x3FD9]  }
0x89: {  	s3 =	sld [smem:$0x3FFE];
	_ =	sdelay $0x1  }
0x8a: {  	s1 =	srdreg.scid  }
0x8b: {  	s0 =	sand.u32 $0x1, s1  }
0x8c: {  	s17 =	sshll.u32 s0, $0xA;
	s2 =	sadd.s32 s3, s2  }
0x8d: {  	s2 =	sadd.s32 s2, s17  }
0x8e: {  	[smem:$0x3FC6] =	sst s2  }
0x8f: {  	_ = 	snop  }
0x90: {  	s2 =	sld [smem:$0x3FC9];
	(tm) =	ssettm $0x1  }
0x91: {  	s18 =	sld [smem:$0x3FFB];
	_ =	sdelay $0x3  }
0x92: {  	_ =	strace s18  }
0x93: {  	s3 =	sld [smem:$0x3FFC];
	_ =	sdelay $0x3  }
0x94: {  	_ =	strace s3  }
0x95: {  	s3 =	sld [smem:$0x3FFD];
	_ =	sdelay $0x3  }
0x96: {  	_ =	strace s3  }
0x97: {  	_ =	strace $0x8FFFFFFF  }
0x98: {  	s19 =	sld [smem:$0x3FDB];
	_ =	sdelay $0x1  }
0x99: {  	s4 =	simm.s32 $_scs_section_size  }
0x9a: {  	s5 =	simm.s32 $_size__tile_overlayer_lowered;
	s6 =	simm.s32 $_tile_overlayer_lowered  }
0x9b: {  	s22 =	simm.s32 $0x1BFF;
	s21 =	sshll.u32 s6, $0x1;
	s3 =	sadd.s32 s4, s19  }
0x9c: {  	s7 =	simm.s32 $0x0;
	s20 =	sshll.u32 s5, $0x1;
	s5 =	sadd.s32 s21, s3  }
0x9d: {  	[timem:s7], [sflag:s22] =	dma.local [hbm:s5], s20  }
0x9e: {  	_ =	swait.ge [sflag:s22], s20  }
0x9f: {  	s4 =	ssub.s32 $0x0, s20;
	[sflag:s22] =	ssyncset.done $0x0  }
0xa0: {  	[sflag:s22] =	ssyncadd.s32 s4;
	_ =	sdelay $0x1  }
0xa1: {  	s23 =	simm.s32 $0x1B8B  }
0xa2: {  	_ =	swait.ge [sflag:s23], $0x1  }
0xa3: {  	[sflag:s23] =	ssyncset.done $0x0  }
0xa4: {  	s25 =	simm.s32 $0x1B8E;
	s24 =	sld [smem:$0x3FFE];
	[sflag:s23] =	ssyncadd.s32 $0xFFFFFFFF  }
0xa5: {  	s26 =	simm.s32 $execute0_lowered;
	[smem:$0x3FD2] =	sst s25  }
0xa6: {  	s5 =	sshll.u32 s26, $0x1;
	_ =	strace $0x80000046;
	[dreg:$0x1] =	wrdreg $0xFFFFFFFF  }
0xa7: {  	s28 =	simm.s32 $_size_execute0_lowered;
	s3 =	sadd.s32 s3, s5;
	[dreg:$0x0] =	wrdreg $0x0  }
0xa8: {  	s5 =	sshll.u32 s28, $0x1;
	[dreg:$0x2] =	wrdreg s3  }
0xa9: {  	[dreg:$0x3] =	wrdreg s5  }
0xaa: {  	[dreg:$0x4] =	wrdreg $0xC0  }
0xab: {  	_ =	task [dreg:s7], $0x5FFFF  }
0xac: {  	[dreg:$0x1] =	wrdreg $0xFFFFFFFF  }
0xad: {  	[dreg:$0x0] =	wrdreg $0x60  }
0xae: {  	[dreg:$0x2] =	wrdreg s24  }
0xaf: {  	[dreg:$0x3] =	wrdreg s2  }
0xb0: {  	[dreg:$0x4] =	wrdreg $0x9  }
0xb1: {  	_ =	task.clear_ibuf [dreg:s7], $0x5FFFF;
	_ =	strace $0x90000046  }
0xb2: {  	s29 =	simm.s32 $0x9;
	_ =	strace $0x80000048  }
0xb3: {  	_ =	swait.ge [sflag:s29], $0x1  }
0xb4: {  	[sflag:s29] =	ssyncadd.s32 $0xFFFFFFFF  }
0xb5: {  	_ =	strace $0x90000048  }
0xb6: {  	_ =	sfence  }
0xb7: {  	s30 =	sld [smem:$0x0];
	_ =	sdelay $0x2  }
0xb8: {  	s31 =	sshll.u32 s1, $0xD;
	s1 =	sshrl.u32 s1, $0x2  }
0xb9: {  	s3 =	sand.u32 $0x4000, s31;
	s1 =	sadd.s32 s1, s30  }
0xba: {  	s0 =	sor.u32 s3, s0;
	s1 =	sshll.u32 s1, $0x11  }
0xbb: {  	s0 =	sor.u32 s1, s0  }
0xbc: {  	s0 =	sadd.s32 $0x8F2B, s0  }
0xbd: {  	[sflag:s0] =	ssyncadd.remote.s32 $0x1  }
0xbe: {  	_ =	sfence.sel $0xFFFF  }
0xbf: {  	[dreg:$0x0] =	wrdreg $0xFFFFFFFF;
	(pc) =	sbr.abs _section_cstart, $3  }
0xc0: {  	[dreg:$0x1] =	wrdreg $0xFFFFFFFF  }
0xc1: {  	_ =	task.clear_ibuf [dreg:s7], $0x2FFFF;
	_ =	strace $0x9FFFFFFF  }
0xc2: {  	(tm) =	ssettm $0x7FFFFFFF  }
0xc3: {  	_ =	shalt  }
tec
execute0_lowered:
.L_overlay_start_1:
0x0: {  	(tag) =	ssettag $0x1  }
0x1: {  	s1 =	srdreg.scid;
	s3 =	rddreg [dreg:$0x0]  }
0x2: {  	s0 =	stileid.u32;
	s4 =	rddreg [dreg:$0x1]  }
0x3: {  	s17 =	simm.s32 $0x0;
	s1 =	sand.u32 $0x1, s1;
	s5 =	sshll.u32 s0, $0x7  }
0x4: {  	[smem:$0x7FF] =	sst s17;
	s7 =	sadd.s32 $0x400, s3;
	s6 =	sshll.u32 s1, $0x6  }
0x5: {  	_ =	strace $0x80000047;
	[dreg:$0x3] =	wrdreg s7;
	s5 =	sor.u32 s6, s5  }
0x6: {  	s21 =	rddreg [dreg:$0x3];
	s6 =	sshll.u32 s5, $0x9  }
0x7: {  	[tilespmem:s17], [sflag:$0x8] =	stream.linear.gather [hbm4b:s21+s17], $0x80, $0x38;
	[tilespmem:$0x1C880] =	vst v63  }
0x8: {  	s2 =	sadd.s32 s4, s6  }
0x9: {  	s4 =	sadd.s32 $0x40, s2  }
0xa: {  	s18 =	sadd.s32 $0x1000, s2;
	[dreg:$0x4] =	wrdreg s4  }
0xb: {  	s19 =	sadd.s32 $0x1040, s2;
	[dreg:$0x5] =	wrdreg s18  }
0xc: {  	s20 =	sadd.s32 $0x2000, s2;
	[dreg:$0x6] =	wrdreg s19  }
0xd: {  	s22 =	sadd.s32 $0x2040, s2;
	[dreg:$0x7] =	wrdreg s20  }
0xe: {  	[dreg:$0x8] =	wrdreg s22;
	s4 =	simm.s32 $0x8  }
0xf: {  	_ =	swait.ge [sflag:s4], $0x80  }
0x10: {  	[sflag:s4] =	ssyncset.done $0x0  }
0x11: {  	[sflag:s4] =	ssyncadd.s32 $0xFFFFFF80  }
0x12: {  	v1 =	vld [tilespmem:$0x0];
	_ =	sdelay $0x4  }
0x13: {  	v0 =	vmov s5;
	v2 =	vshll.u32 v1, $0xB  }
0x14: {  	v1 =	vlaneseq.u32;
	v17 =	vor.u32 v0, v2  }
0x15: {  	v2 =	vadd.s32 $0x3C, v1;
	v4 =	vor.u32 v1, v17  }
0x16: {  	v3 =	vadd.s32 $0x4, v1;
	v5 =	vadd.s32 v2, v17;
	[tilespmem:$0x80] =	vst v4  }
0x17: {  	v6 =	vor.u32 v3, v17;
	v4 =	vor.u32 $0x10, v1;
	[tilespmem:$0x800] =	vst v5  }
0x18: {  	v5 =	vadd.s32 $0x18, v1;
	[tilespmem:$0x100] =	vst v6;
	v7 =	vor.u32 v4, v17  }
0x19: {  	v6 =	vadd.s32 $0x8, v1;
	v8 =	vor.u32 v5, v17;
	[tilespmem:$0x280] =	vst v7  }
0x1a: {  	v9 =	vor.u32 v6, v17;
	v7 =	vadd.s32 $0x34, v1;
	[tilespmem:$0x380] =	vst v8  }
0x1b: {  	v8 =	vadd.s32 $0x38, v1;
	[tilespmem:$0x180] =	vst v9;
	v10 =	vadd.s32 v7, v17  }
0x1c: {  	v9 =	vadd.s32 $0x1C, v1;
	v11 =	vadd.s32 v8, v17;
	[tilespmem:$0x700] =	vst v10  }
0x1d: {  	v12 =	vor.u32 v9, v17;
	v10 =	vadd.s32 $0xC, v1;
	[tilespmem:$0x780] =	vst v11  }
0x1e: {  	v11 =	vor.u32 $0x30, v1;
	[tilespmem:$0x400] =	vst v12;
	v13 =	vor.u32 v10, v17  }
0x1f: {  	v12 =	vadd.s32 $0x2C, v1;
	v14 =	vor.u32 v11, v17;
	[tilespmem:$0x200] =	vst v13  }
0x20: {  	v15 =	vor.u32 v12, v17;
	v13 =	vadd.s32 $0x14, v1;
	[tilespmem:$0x680] =	vst v14  }
0x21: {  	v14 =	vadd.s32 $0x28, v1;
	[tilespmem:$0x600] =	vst v15;
	v16 =	vor.u32 v13, v17  }
0x22: {  	v15 =	vadd.s32 $0x24, v1;
	v18 =	vor.u32 v14, v17;
	[tilespmem:$0x300] =	vst v16  }
0x23: {  	v19 =	vor.u32 v15, v17;
	v16 =	vor.u32 $0x20, v1;
	[tilespmem:$0x580] =	vst v18  }
0x24: {  	[tilespmem:$0x500] =	vst v19;
	v17 =	vor.u32 v16, v17  }
0x25: {  	s7 =	simm.s32 $0x880;
	s5 =	simm.s32 $0x200;
	s6 =	simm.s32 $0x400;
	[tilespmem:$0x480] =	vst v17  }
0x26: {  	[tilespmem:s7], [sflag:$0x1] =	stream.strided.gather [hbm4b:s2+s5], $0x4000, s6, s5, $0x38;
	[tilespmem:$0x1C880] =	vst v63  }
0x27: {  	s8 =	simm.s32 $0x4880;
	s9 =	rddreg [dreg:$0x4]  }
0x28: {  	[tilespmem:s8], [sflag:$0x2] =	stream.strided.gather [hbm4b:s9+s5], $0x4000, s6, s5, $0x38;
	[tilespmem:$0x1C880] =	vst v63  }
0x29: {  	s23 =	simm.s32 $0x8880;
	s11 =	rddreg [dreg:$0x5]  }
0x2a: {  	[tilespmem:s23], [sflag:$0x3] =	stream.strided.gather [hbm4b:s11+s5], $0x4000, s6, s5, $0x38;
	[tilespmem:$0x1C880] =	vst v63  }
0x2b: {  	s25 =	simm.s32 $0xC880;
	s24 =	rddreg [dreg:$0x6]  }
0x2c: {  	[tilespmem:s25], [sflag:$0x4] =	stream.strided.gather [hbm4b:s24+s5], $0x4000, s6, s5, $0x38;
	[tilespmem:$0x1C880] =	vst v63  }
0x2d: {  	s10 =	simm.s32 $0x10880;
	s26 =	rddreg [dreg:$0x7]  }
0x2e: {  	[tilespmem:s10], [sflag:$0x5] =	stream.strided.gather [hbm4b:s26+s5], $0x4000, s6, s5, $0x38;
	[tilespmem:$0x1C880] =	vst v63  }
0x2f: {  	s14 =	simm.s32 $0x14880;
	s12 =	rddreg [dreg:$0x8]  }
0x30: {  	[tilespmem:s14], [sflag:$0x6] =	stream.strided.gather [hbm4b:s12+s5], $0x4000, s6, s5, $0x38;
	[tilespmem:$0x1C880] =	vst v63  }
0x31: {  	s16 =	simm.s32 $0x18880;
	s15 =	sadd.s32 $0x3000, s2;
	s9 =	simm.s32 $0x1  }
0x32: {  	[tilespmem:s16], [sflag:$0x7] =	stream.strided.gather [hbm4b:s15+s5], $0x4000, s6, s5, $0x38;
	[tilespmem:$0x1C880] =	vst v63  }
0x33: {  	_ =	swait.ge [sflag:s9], $0x4000  }
0x34: {  	[sflag:s9] =	ssyncset.done $0x0  }
0x35: {  	s17 =	sadd.s32 $0x3040, s2;
	s11 =	simm.s32 $0x2;
	[sflag:s9] =	ssyncadd.s32 $0xFFFFC000  }
0x36: {  	[tilespmem:s7], [sflag:$0x1] =	stream.strided.gather [hbm4b:s17+s5], $0x4000, s6, s5, $0x38;
	[tilespmem:$0x1C880] =	vst v63  }
0x37: {  	_ =	swait.ge [sflag:s11], $0x4000  }
0x38: {  	[sflag:s11] =	ssyncset.done $0x0  }
0x39: {  	s18 =	sadd.s32 $0x4000, s2;
	s19 =	simm.s32 $0x3;
	[sflag:s11] =	ssyncadd.s32 $0xFFFFC000  }
0x3a: {  	[tilespmem:s8], [sflag:$0x2] =	stream.strided.gather [hbm4b:s18+s5], $0x4000, s6, s5, $0x38;
	[tilespmem:$0x1C880] =	vst v63  }
0x3b: {  	_ =	swait.ge [sflag:s19], $0x4000  }
0x3c: {  	[sflag:s19] =	ssyncset.done $0x0  }
0x3d: {  	s21 =	sadd.s32 $0x4040, s2;
	s20 =	simm.s32 $0x4;
	[sflag:s19] =	ssyncadd.s32 $0xFFFFC000  }
0x3e: {  	[tilespmem:s23], [sflag:$0x3] =	stream.strided.gather [hbm4b:s21+s5], $0x4000, s6, s5, $0x38;
	[tilespmem:$0x1C880] =	vst v63  }
0x3f: {  	_ =	swait.ge [sflag:s20], $0x4000  }
0x40: {  	[sflag:s20] =	ssyncset.done $0x0  }
0x41: {  	s22 =	simm.s32 $0x5;
	s23 =	sadd.s32 $0x5000, s2;
	[sflag:s20] =	ssyncadd.s32 $0xFFFFC000  }
0x42: {  	[tilespmem:s25], [sflag:$0x4] =	stream.strided.gather [hbm4b:s23+s5], $0x4000, s6, s5, $0x38;
	[tilespmem:$0x1C880] =	vst v63  }
0x43: {  	_ =	swait.ge [sflag:s22], $0x4000  }
0x44: {  	[sflag:s22] =	ssyncset.done $0x0  }
0x45: {  	s24 =	simm.s32 $0x6;
	s26 =	sadd.s32 $0x5040, s2;
	[sflag:s22] =	ssyncadd.s32 $0xFFFFC000  }
0x46: {  	[tilespmem:s10], [sflag:$0x5] =	stream.strided.gather [hbm4b:s26+s5], $0x4000, s6, s5, $0x38;
	[tilespmem:$0x1C880] =	vst v63  }
0x47: {  	_ =	swait.ge [sflag:s24], $0x4000  }
0x48: {  	[sflag:s24] =	ssyncset.done $0x0  }
0x49: {  	s28 =	sadd.s32 $0x6000, s2;
	s25 =	simm.s32 $0x7;
	[sflag:s24] =	ssyncadd.s32 $0xFFFFC000  }
0x4a: {  	[tilespmem:s14], [sflag:$0x6] =	stream.strided.gather [hbm4b:s28+s5], $0x4000, s6, s5, $0x38;
	[tilespmem:$0x1C880] =	vst v63  }
0x4b: {  	_ =	swait.ge [sflag:s25], $0x4000  }
0x4c: {  	[sflag:s25] =	ssyncset.done $0x0  }
0x4d: {  	s29 =	sadd.s32 $0x6040, s2;
	[sflag:s25] =	ssyncadd.s32 $0xFFFFC000  }
0x4e: {  	[tilespmem:s16], [sflag:$0x7] =	stream.strided.gather [hbm4b:s29+s5], $0x4000, s6, s5, $0x38;
	[tilespmem:$0x1C880] =	vst v63  }
0x4f: {  	_ =	swait.ge [sflag:s9], $0x4000  }
0x50: {  	s1 =	ssub.s32 $0x2, s1;
	[sflag:s9] =	ssyncset.done $0x0  }
0x51: {  	s13 =	sshrl.u32 s1, $0x1;
	s30 =	sadd.s32 $0x7000, s2;
	[sflag:s9] =	ssyncadd.s32 $0xFFFFC000  }
0x52: {  	[tilespmem:s7], [sflag:$0x1] =	stream.strided.gather [hbm4b:s30+s5], $0x4000, s6, s5, $0x38;
	[tilespmem:$0x1C880] =	vst v63  }
0x53: {  	s0 =	ssub.s32 s1, s13;
	_ =	swait.ge [sflag:s11], $0x4000  }
0x54: {  	s0 =	smax.u32 s0, $0x1;
	[sflag:s11] =	ssyncset.done $0x0  }
0x55: {  	s31 =	sadd.s32 $0x7040, s2;
	p0 =	sne.s32 s0, $0x1;
	[sflag:s11] =	ssyncadd.s32 $0xFFFFC000  }
0x56: {  	[tilespmem:s8], [sflag:$0x2] =	stream.strided.gather [hbm4b:s31+s5], $0x4000, s6, s5, $0x38;
	[tilespmem:$0x1C880] =	vst v63  }
.Ltmp0:
0x57: {  	_ =	swait.ge [sflag:s19], $0x4000;
	(pc) =	sbr.rel @!p0 .LBB2_3-.Ltmp0, $4  }
0x58: {  	[sflag:s19] =	ssyncset.done $0x0  }
0x59: {  	[sflag:s19] =	ssyncadd.s32 $0xFFFFC000  }
0x5a: {  	_ =	swait.ge [sflag:s20], $0x4000  }
0x5b: {  	s1 =	sadd.s32 $0xFFFFFFFF, s0;
	[sflag:s20] =	ssyncset.done $0x0  }
0x5c: {  	s10 =	smov.u32 s2;
	s12 =	simm.s32 $0x8880;
	s13 =	simm.s32 $0xC880  }
.LBB2_2:
0x5d: {  	[sflag:s20] =	ssyncadd.s32 $0xFFFFC000  }
0x5e: {  	_ =	swait.ge [sflag:s22], $0x4000  }
0x5f: {  	[sflag:s22] =	ssyncset.done $0x0  }
0x60: {  	[sflag:s22] =	ssyncadd.s32 $0xFFFFC000  }
0x61: {  	_ =	swait.ge [sflag:s24], $0x4000  }
0x62: {  	[sflag:s24] =	ssyncset.done $0x0  }
0x63: {  	[sflag:s24] =	ssyncadd.s32 $0xFFFFC000  }
0x64: {  	_ =	swait.ge [sflag:s25], $0x4000  }
0x65: {  	[sflag:s25] =	ssyncset.done $0x0  }
0x66: {  	[sflag:s25] =	ssyncadd.s32 $0xFFFFC000  }
0x67: {  	_ =	swait.ge [sflag:s9], $0x4000  }
0x68: {  	[sflag:s9] =	ssyncset.done $0x0  }
0x69: {  	[sflag:s9] =	ssyncadd.s32 $0xFFFFC000  }
0x6a: {  	_ =	swait.ge [sflag:s11], $0x4000  }
0x6b: {  	[sflag:s11] =	ssyncset.done $0x0  }
0x6c: {  	s2 =	simm.s32 $0x0;
	s0 =	rddreg [dreg:$0x3];
	[sflag:s11] =	ssyncadd.s32 $0xFFFFC000  }
0x6d: {  	[tilespmem:s2], [sflag:$0x8] =	stream.linear.gather [hbm4b:s0+s2], $0x80, $0x38;
	[tilespmem:$0x1C880] =	vst v63  }
0x6e: {  	_ =	swait.ge [sflag:s4], $0x80  }
0x6f: {  	[sflag:s4] =	ssyncset.done $0x0  }
0x70: {  	[sflag:s4] =	ssyncadd.s32 $0xFFFFFF80  }
0x71: {  	v17 =	vld [tilespmem:$0x0];
	_ =	sdelay $0x4  }
0x72: {  	v17 =	vshll.u32 v17, $0xB  }
0x73: {  	v17 =	vor.u32 v0, v17  }
0x74: {  	v18 =	vor.u32 v1, v17  }
0x75: {  	v20 =	vadd.s32 v2, v17;
	[tilespmem:$0x80] =	vst v18  }
0x76: {  	v19 =	vor.u32 v3, v17;
	[tilespmem:$0x800] =	vst v20  }
0x77: {  	v22 =	vor.u32 v4, v17;
	[tilespmem:$0x100] =	vst v19  }
0x78: {  	v24 =	vor.u32 v5, v17;
	[tilespmem:$0x280] =	vst v22  }
0x79: {  	v28 =	vadd.s32 v7, v17;
	[tilespmem:$0x380] =	vst v24  }
0x7a: {  	v25 =	vor.u32 v9, v17;
	[tilespmem:$0x700] =	vst v28  }
0x7b: {  	v21 =	vor.u32 v10, v17;
	[tilespmem:$0x400] =	vst v25  }
0x7c: {  	v27 =	vor.u32 v11, v17;
	[tilespmem:$0x200] =	vst v21  }
0x7d: {  	v63 =	vor.u32 v12, v17;
	[tilespmem:$0x680] =	vst v27  }
0x7e: {  	v23 =	vor.u32 v13, v17;
	[tilespmem:$0x600] =	vst v63  }
0x7f: {  	v26 =	vor.u32 v14, v17;
	[tilespmem:$0x300] =	vst v23  }
0x80: {  	v62 =	vor.u32 v15, v17;
	[tilespmem:$0x580] =	vst v26  }
0x81: {  	v18 =	vor.u32 v6, v17;
	[tilespmem:$0x500] =	vst v62  }
0x82: {  	v19 =	vor.u32 v16, v17;
	v17 =	vadd.s32 v8, v17;
	[tilespmem:$0x180] =	vst v18  }
0x83: {  	[tilespmem:$0x780] =	vst v17  }
0x84: {  	[tilespmem:$0x480] =	vst v19  }
0x85: {  	[tilespmem:s7], [sflag:$0x1] =	stream.strided.gather [hbm4b:s10+s5], $0x4000, s6, s5, $0x38;
	[tilespmem:$0x1C880] =	vst v63  }
0x86: {  	s0 =	rddreg [dreg:$0x4]  }
0x87: {  	[tilespmem:s8], [sflag:$0x2] =	stream.strided.gather [hbm4b:s0+s5], $0x4000, s6, s5, $0x38;
	[tilespmem:$0x1C880] =	vst v63  }
0x88: {  	s2 =	rddreg [dreg:$0x5]  }
0x89: {  	[tilespmem:s12], [sflag:$0x3] =	stream.strided.gather [hbm4b:s2+s5], $0x4000, s6, s5, $0x38;
	[tilespmem:$0x1C880] =	vst v63  }
0x8a: {  	s3 =	rddreg [dreg:$0x6]  }
0x8b: {  	[tilespmem:s13], [sflag:$0x4] =	stream.strided.gather [hbm4b:s3+s5], $0x4000, s6, s5, $0x38;
	[tilespmem:$0x1C880] =	vst v63  }
0x8c: {  	s0 =	rddreg [dreg:$0x7];
	s3 =	simm.s32 $0x10880  }
0x8d: {  	[tilespmem:s3], [sflag:$0x5] =	stream.strided.gather [hbm4b:s0+s5], $0x4000, s6, s5, $0x38;
	[tilespmem:$0x1C880] =	vst v63  }
0x8e: {  	s2 =	rddreg [dreg:$0x8]  }
0x8f: {  	[tilespmem:s14], [sflag:$0x6] =	stream.strided.gather [hbm4b:s2+s5], $0x4000, s6, s5, $0x38;
	[tilespmem:$0x1C880] =	vst v63  }
0x90: {  	_ = 	snop  }
0x91: {  	[tilespmem:s16], [sflag:$0x7] =	stream.strided.gather [hbm4b:s15+s5], $0x4000, s6, s5, $0x38;
	[tilespmem:$0x1C880] =	vst v63  }
0x92: {  	_ =	swait.ge [sflag:s9], $0x4000  }
0x93: {  	[sflag:s9] =	ssyncset.done $0x0  }
0x94: {  	[sflag:s9] =	ssyncadd.s32 $0xFFFFC000  }
0x95: {  	[tilespmem:s7], [sflag:$0x1] =	stream.strided.gather [hbm4b:s17+s5], $0x4000, s6, s5, $0x38;
	[tilespmem:$0x1C880] =	vst v63  }
0x96: {  	_ =	swait.ge [sflag:s11], $0x4000  }
0x97: {  	[sflag:s11] =	ssyncset.done $0x0  }
0x98: {  	[sflag:s11] =	ssyncadd.s32 $0xFFFFC000  }
0x99: {  	[tilespmem:s8], [sflag:$0x2] =	stream.strided.gather [hbm4b:s18+s5], $0x4000, s6, s5, $0x38;
	[tilespmem:$0x1C880] =	vst v63  }
0x9a: {  	_ =	swait.ge [sflag:s19], $0x4000  }
0x9b: {  	[sflag:s19] =	ssyncset.done $0x0  }
0x9c: {  	[sflag:s19] =	ssyncadd.s32 $0xFFFFC000  }
0x9d: {  	[tilespmem:s12], [sflag:$0x3] =	stream.strided.gather [hbm4b:s21+s5], $0x4000, s6, s5, $0x38;
	[tilespmem:$0x1C880] =	vst v63  }
0x9e: {  	_ =	swait.ge [sflag:s20], $0x4000  }
0x9f: {  	[sflag:s20] =	ssyncset.done $0x0  }
0xa0: {  	[sflag:s20] =	ssyncadd.s32 $0xFFFFC000  }
0xa1: {  	[tilespmem:s13], [sflag:$0x4] =	stream.strided.gather [hbm4b:s23+s5], $0x4000, s6, s5, $0x38;
	[tilespmem:$0x1C880] =	vst v63  }
0xa2: {  	_ =	swait.ge [sflag:s22], $0x4000  }
0xa3: {  	[sflag:s22] =	ssyncset.done $0x0  }
0xa4: {  	[sflag:s22] =	ssyncadd.s32 $0xFFFFC000  }
0xa5: {  	[tilespmem:s3], [sflag:$0x5] =	stream.strided.gather [hbm4b:s26+s5], $0x4000, s6, s5, $0x38;
	[tilespmem:$0x1C880] =	vst v63  }
0xa6: {  	_ =	swait.ge [sflag:s24], $0x4000  }
0xa7: {  	[sflag:s24] =	ssyncset.done $0x0  }
0xa8: {  	[sflag:s24] =	ssyncadd.s32 $0xFFFFC000  }
0xa9: {  	[tilespmem:s14], [sflag:$0x6] =	stream.strided.gather [hbm4b:s28+s5], $0x4000, s6, s5, $0x38;
	[tilespmem:$0x1C880] =	vst v63  }
0xaa: {  	_ =	swait.ge [sflag:s25], $0x4000  }
0xab: {  	[sflag:s25] =	ssyncset.done $0x0  }
0xac: {  	[sflag:s25] =	ssyncadd.s32 $0xFFFFC000  }
0xad: {  	[tilespmem:s16], [sflag:$0x7] =	stream.strided.gather [hbm4b:s29+s5], $0x4000, s6, s5, $0x38;
	[tilespmem:$0x1C880] =	vst v63  }
0xae: {  	_ =	swait.ge [sflag:s9], $0x4000  }
0xaf: {  	[sflag:s9] =	ssyncset.done $0x0  }
0xb0: {  	[sflag:s9] =	ssyncadd.s32 $0xFFFFC000  }
0xb1: {  	[tilespmem:s7], [sflag:$0x1] =	stream.strided.gather [hbm4b:s30+s5], $0x4000, s6, s5, $0x38;
	[tilespmem:$0x1C880] =	vst v63  }
0xb2: {  	_ =	swait.ge [sflag:s11], $0x4000  }
0xb3: {  	[sflag:s11] =	ssyncset.done $0x0  }
0xb4: {  	p0 =	sne.s32 s1, $0x1;
	[sflag:s11] =	ssyncadd.s32 $0xFFFFC000  }
0xb5: {  	[tilespmem:s8], [sflag:$0x2] =	stream.strided.gather [hbm4b:s31+s5], $0x4000, s6, s5, $0x38;
	[tilespmem:$0x1C880] =	vst v63  }
.Ltmp1:
0xb6: {  	_ =	swait.ge [sflag:s19], $0x4000;
	(pc) =	sbr.rel @p0 .LBB2_2-.Ltmp1, $4  }
0xb7: {  	[sflag:s19] =	ssyncset.done $0x0  }
0xb8: {  	[sflag:s19] =	ssyncadd.s32 $0xFFFFC000  }
0xb9: {  	_ =	swait.ge [sflag:s20], $0x4000  }
0xba: {  	s1 =	sadd.s32 $0xFFFFFFFF, s1;
	[sflag:s20] =	ssyncset.done $0x0  }
.LBB2_3:
0xbb: {  	[sflag:s20] =	ssyncadd.s32 $0xFFFFC000  }
0xbc: {  	_ =	swait.ge [sflag:s22], $0x4000  }
0xbd: {  	[sflag:s22] =	ssyncset.done $0x0  }
0xbe: {  	[sflag:s22] =	ssyncadd.s32 $0xFFFFC000  }
0xbf: {  	_ =	swait.ge [sflag:s24], $0x4000  }
0xc0: {  	[sflag:s24] =	ssyncset.done $0x0  }
0xc1: {  	[sflag:s24] =	ssyncadd.s32 $0xFFFFC000  }
0xc2: {  	_ =	swait.ge [sflag:s25], $0x4000  }
0xc3: {  	[sflag:s25] =	ssyncset.done $0x0  }
0xc4: {  	[sflag:s25] =	ssyncadd.s32 $0xFFFFC000  }
0xc5: {  	_ =	swait.ge [sflag:s9], $0x4000  }
0xc6: {  	[sflag:s9] =	ssyncset.done $0x0  }
0xc7: {  	[sflag:s9] =	ssyncadd.s32 $0xFFFFC000  }
0xc8: {  	_ =	swait.ge [sflag:s11], $0x4000  }
0xc9: {  	[sflag:s11] =	ssyncset.done $0x0  }
0xca: {  	[sflag:s11] =	ssyncadd.s32 $0xFFFFC000  }
0xcb: {  	_ =	sfence.sel $0x180000  }
0xcc: {  	[bflag:$0x0] =	sbarrier.arrive $0xFFFF  }
0xcd: {  	_ =	strace $0x90000047  }
0xce: {  	s0 =	stileid.u32;
	[bflag:$0x2] =	sbarrier.arrive $0xFFFF  }
0xcf: {  	p0 =	sne.s32 s0, $0x0;
	s0 =	rddreg [dreg:$0x2]  }
0xd0: {  	s0 =	sadd.s32 @!p0 $0x100000, s0  }
0xd1: {  	[sflag:s0] =	ssyncadd.tile.s32 @!p0 $0x1;
	_ =	shalt  }
.Lfunc_end2:
_tile_overlayer_lowered:
.L_overlay_start_2:
0xd2: {  	(tag) =	ssettag $0x2  }
0xd3: {  	s0 =	rddreg [dreg:$0x0];
	s2 =	stileid.u32  }
0xd4: {  	s1 =	rddreg [dreg:$0x1];
	p0 =	sne.s32 s2, $0x0  }
0xd5: {  	s3 =	rddreg [dreg:$0x2];
	[bflag:$0x3] =	sbarrier.arrive $0xFFFF;
	s2 =	simm.s32 @!p0 $0x1C08  }
0xd6: {  	[timem:s3], [sflag:s2] =	dma.local @!p0 [hbm:s0], s1  }
0xd7: {  	s0 =	simm.s32 @!p0 $0x8  }
0xd8: {  	_ =	swait.ge @!p0 [sflag:s0], s1  }
0xd9: {  	s1 =	ssub.s32 @!p0 $0x0, s1;
	[sflag:s0] =	ssyncset.done @!p0 $0x0  }
0xda: {  	[sflag:s0] =	ssyncadd.s32 @!p0 s1  }
0xdb: {  	[bflag:$0x3] =	sbarrier.arrive $0xFFFF  }
0xdc: {  	_ =	shalt  }

</sc_bundles>
